<compile_context>
chip_gen: v7x
topology: tpu7x:2x2x1
jax: 0.10.2.dev20260603
libtpu: 0.0.44.dev20260713+nightly
codegen_flags: <defaults>
</compile_context>

<pallas_src>
import functools

import jax
import jax.numpy as jnp
from jax import lax
from jax.experimental import pallas as pl
from jax.experimental.pallas import tpu as pltpu
from jax.experimental.pallas import tpu_sc as plsc

_TIME_STEPS = 1000
_EMBED_DIM = 128
_BATCH = 16384

_NUM_CORES = 2
_NUM_SUBCORES = 16
_NUM_WORKERS = _NUM_CORES * _NUM_SUBCORES
_B_PER_W = _BATCH // _NUM_WORKERS
_CHUNK = 64
_CHUNKS_PER_W = _B_PER_W // _CHUNK
_BCAST_ROWS = 128
_BCAST_FULL = _TIME_STEPS // _BCAST_ROWS
_BCAST_REST = _TIME_STEPS - _BCAST_FULL * _BCAST_ROWS


@functools.partial(
    pl.kernel,
    mesh=plsc.VectorSubcoreMesh(core_axis_name="c", subcore_axis_name="s"),
    out_type=jax.ShapeDtypeStruct((_BATCH, _EMBED_DIM), jnp.float32),
    scratch_types=[
        pltpu.VMEM_SHARED((_TIME_STEPS, _EMBED_DIM), jnp.float32),
        pltpu.VMEM((_CHUNKS_PER_W, _CHUNK), jnp.int32),
        pltpu.VMEM((_B_PER_W, _EMBED_DIM), jnp.float32),
    ]
    + [pltpu.SemaphoreType.DMA] * (_CHUNKS_PER_W + 1),
)
def _sc_gather(table_hbm, idx_hbm, out_hbm, table_sh, idx_v, rows_v, *sems):
    gsems, ssem = sems[:_CHUNKS_PER_W], sems[_CHUNKS_PER_W]
    sid = lax.axis_index("s")
    wid = sid * _NUM_CORES + lax.axis_index("c")
    base = wid * _B_PER_W
    @pl.when(sid < _BCAST_FULL)
    def _():
        pltpu.sync_copy(
            table_hbm.at[pl.ds(sid * _BCAST_ROWS, _BCAST_ROWS)],
            table_sh.at[pl.ds(sid * _BCAST_ROWS, _BCAST_ROWS)],
        )
    @pl.when(sid == _BCAST_FULL)
    def _():
        pltpu.sync_copy(
            table_hbm.at[pl.ds(_BCAST_FULL * _BCAST_ROWS, _BCAST_REST)],
            table_sh.at[pl.ds(_BCAST_FULL * _BCAST_ROWS, _BCAST_REST)],
        )
    pltpu.sync_copy(idx_hbm.at[pl.ds(wid * _CHUNKS_PER_W, _CHUNKS_PER_W)], idx_v)
    plsc.subcore_barrier()
    gathers = [
        pltpu.async_copy(
            table_sh.at[idx_v.at[j]],
            rows_v.at[pl.ds(j * _CHUNK, _CHUNK)],
            gsems[j],
        )
        for j in range(_CHUNKS_PER_W)
    ]
    stores = []
    for j in range(_CHUNKS_PER_W):
        gathers[j].wait()
        stores.append(
            pltpu.async_copy(
                rows_v.at[pl.ds(j * _CHUNK, _CHUNK)],
                out_hbm.at[pl.ds(base + j * _CHUNK, _CHUNK)],
                ssem,
            )
        )
    for s in stores:
        s.wait()


def kernel(t, embeddings):
    idx2d = t.reshape(_NUM_WORKERS * _CHUNKS_PER_W, _CHUNK)
    out = _sc_gather(embeddings, idx2d)
    return out[:, :, None, None]

# --- scband reference (transcript-rebuilt; emitter-appended) ---
"""Pipeline reference for scband-sinusoidal-embeddings-55155970015815 (READ-ONLY COPY).

The authoritative reference and input builder live on the scoring server;
editing this copy changes nothing except your own understanding.
"""

import jax, jax.numpy as jnp
import numpy as np
import math

TIME_STEPS = 1000
EMBED_DIM = 128
BATCH = 16384


def _build_table():
    position = jnp.arange(TIME_STEPS, dtype=jnp.float32)[:, None]
    div = jnp.exp(jnp.arange(0, EMBED_DIM, 2, dtype=jnp.float32) * -(math.log(10000.0) / EMBED_DIM))
    emb = jnp.zeros((TIME_STEPS, EMBED_DIM), dtype=jnp.float32)
    emb = emb.at[:, 0::2].set(jnp.sin(position * div))
    emb = emb.at[:, 1::2].set(jnp.cos(position * div))
    return emb


def setup_inputs(seed: int = 0) -> dict:
    key = jax.random.key(seed)
    t = jax.random.randint(key, (BATCH,), 0, TIME_STEPS, dtype=jnp.int32)
    embeddings = _build_table()
    return {"t": t, "embeddings": embeddings}


def reference(t, embeddings):
    # embeds = self.embeddings[t]; return embeds[:, :, None, None]
    embeds = jnp.take(embeddings, t, axis=0)
    return embeds[:, :, None, None]

if __name__ == "__main__":
    import jax
    _d = setup_inputs()
    print(jax.jit(kernel)(*tuple(_d.values())))

</pallas_src>

<mosaic_0001>
#map = affine_map<(d0, d1) -> (0, 0)>
module attributes {stable_mosaic.version = 14 : i64} {
  func.func @_sc_gather(%arg0: i32, %arg1: i32, %arg2: memref<1000x128xf32, #tpu.memory_space<hbm>>, %arg3: memref<256x64xi32, #tpu.memory_space<hbm>>, %arg4: memref<16384x128xf32, #tpu.memory_space<hbm>>, %arg5: memref<1000x128xf32, #tpu.memory_space<vmem_shared>>, %arg6: memref<8x64xi32, #tpu.memory_space<vmem>>, %arg7: memref<512x128xf32, #tpu.memory_space<vmem>>, %arg8: memref<!tpu.dma_semaphore, #tpu.memory_space<semaphore_mem>>, %arg9: memref<!tpu.dma_semaphore, #tpu.memory_space<semaphore_mem>>, %arg10: memref<!tpu.dma_semaphore, #tpu.memory_space<semaphore_mem>>, %arg11: memref<!tpu.dma_semaphore, #tpu.memory_space<semaphore_mem>>, %arg12: memref<!tpu.dma_semaphore, #tpu.memory_space<semaphore_mem>>, %arg13: memref<!tpu.dma_semaphore, #tpu.memory_space<semaphore_mem>>, %arg14: memref<!tpu.dma_semaphore, #tpu.memory_space<semaphore_mem>>, %arg15: memref<!tpu.dma_semaphore, #tpu.memory_space<semaphore_mem>>, %arg16: memref<!tpu.dma_semaphore, #tpu.memory_space<semaphore_mem>>) attributes {dimension_semantics = [#tpu.dimension_semantics<core_parallel>, #tpu.dimension_semantics<subcore_parallel>], iteration_bounds = array<i64: 2, 16>, scalar_prefetch = 0 : i64, scratch_operands = 12 : i64, tpu.core_type = #tpu.core_type<sc_vector_subcore>, window_params = [{transform_indices = #map}, {transform_indices = #map}, {transform_indices = #map}]} {
    %mul3A = arith.constant 2 : i32
    %mul3A_0 = arith.muli %arg1, %mul3A : i32
    %add3A = arith.addi %mul3A_0, %arg0 : i32
    %mul3A_1 = arith.constant 512 : i32
    %mul3A_2 = arith.muli %add3A, %mul3A_1 : i32
    %lt3A = arith.constant 7 : i32
    %lt3A_3 = arith.cmpi slt, %arg1, %lt3A : i32
    %convert_element_type3A = arith.extui %lt3A_3 : i1 to i32
    %cond3A = arith.constant 0 : i32
    %cond3A_4 = arith.cmpi ne, %convert_element_type3A, %cond3A : i32
    scf.if %cond3A_4 {
      %mul3A_345 = arith.constant 128 : i32
      %mul3A_346 = arith.muli %arg1, %mul3A_345 : i32
      %mul3A_347 = arith.constant 128 : i32
      %mul3A_348 = arith.muli %arg1, %mul3A_347 : i32
      "tpu.region"() ({
        %run_scoped3A = tpu.sem_alloc : memref<!tpu.dma_semaphore, #tpu.memory_space<semaphore_mem>>
        %dma_start3A_349 = arith.constant 0 : i32
        %dma_start3A_350 = tpu.memref_slice %arg5[%mul3A_348, %dma_start3A_349] : memref<1000x128xf32, #tpu.memory_space<vmem_shared>> -> memref<128x128xf32, #tpu.memory_space<vmem_shared>>
        %dma_start3A_351 = arith.constant 0 : i32
        %dma_start3A_352 = tpu.memref_slice %arg2[%mul3A_346, %dma_start3A_351] : memref<1000x128xf32, #tpu.memory_space<hbm>> -> memref<128x128xf32, #tpu.memory_space<hbm>>
        tpu.enqueue_dma source(%dma_start3A_352 : memref<128x128xf32, #tpu.memory_space<hbm>>) target(%dma_start3A_350 : memref<128x128xf32, #tpu.memory_space<vmem_shared>>) target_semaphore(%run_scoped3A : memref<!tpu.dma_semaphore, #tpu.memory_space<semaphore_mem>>)
        %dma_wait3A_353 = arith.constant 0 : i32
        %dma_wait3A_354 = tpu.memref_slice %arg5[%mul3A_348, %dma_wait3A_353] : memref<1000x128xf32, #tpu.memory_space<vmem_shared>> -> memref<128x128xf32, #tpu.memory_space<vmem_shared>>
        %dma_wait3A_355 = arith.constant 0 : i32
        %dma_wait3A_356 = tpu.memref_slice %arg2[%mul3A_346, %dma_wait3A_355] : memref<1000x128xf32, #tpu.memory_space<hbm>> -> memref<128x128xf32, #tpu.memory_space<hbm>>
        tpu.wait_dma2 semaphore(%run_scoped3A : memref<!tpu.dma_semaphore, #tpu.memory_space<semaphore_mem>>) src(%dma_wait3A_356 : memref<128x128xf32, #tpu.memory_space<hbm>>) dst(%dma_wait3A_354 : memref<128x128xf32, #tpu.memory_space<vmem_shared>>)
        tpu.yield
      }) : () -> ()
    } else {
    }
    %eq3A = arith.constant 7 : i32
    %eq3A_5 = arith.cmpi eq, %arg1, %eq3A : i32
    %convert_element_type3A_6 = arith.extui %eq3A_5 : i1 to i32
    %cond3A_7 = arith.constant 0 : i32
    %cond3A_8 = arith.cmpi ne, %convert_element_type3A_6, %cond3A_7 : i32
    scf.if %cond3A_8 {
      "tpu.region"() ({
        %run_scoped3A = tpu.sem_alloc : memref<!tpu.dma_semaphore, #tpu.memory_space<semaphore_mem>>
        %dma_start3A_345 = arith.constant 896 : i32
        %dma_start3A_346 = arith.constant 0 : i32
        %dma_start3A_347 = tpu.memref_slice %arg5[%dma_start3A_345, %dma_start3A_346] : memref<1000x128xf32, #tpu.memory_space<vmem_shared>> -> memref<104x128xf32, #tpu.memory_space<vmem_shared>>
        %dma_start3A_348 = arith.constant 896 : i32
        %dma_start3A_349 = arith.constant 0 : i32
        %dma_start3A_350 = tpu.memref_slice %arg2[%dma_start3A_348, %dma_start3A_349] : memref<1000x128xf32, #tpu.memory_space<hbm>> -> memref<104x128xf32, #tpu.memory_space<hbm>>
        tpu.enqueue_dma source(%dma_start3A_350 : memref<104x128xf32, #tpu.memory_space<hbm>>) target(%dma_start3A_347 : memref<104x128xf32, #tpu.memory_space<vmem_shared>>) target_semaphore(%run_scoped3A : memref<!tpu.dma_semaphore, #tpu.memory_space<semaphore_mem>>)
        %dma_wait3A_351 = arith.constant 896 : i32
        %dma_wait3A_352 = arith.constant 0 : i32
        %dma_wait3A_353 = tpu.memref_slice %arg5[%dma_wait3A_351, %dma_wait3A_352] : memref<1000x128xf32, #tpu.memory_space<vmem_shared>> -> memref<104x128xf32, #tpu.memory_space<vmem_shared>>
        %dma_wait3A_354 = arith.constant 896 : i32
        %dma_wait3A_355 = arith.constant 0 : i32
        %dma_wait3A_356 = tpu.memref_slice %arg2[%dma_wait3A_354, %dma_wait3A_355] : memref<1000x128xf32, #tpu.memory_space<hbm>> -> memref<104x128xf32, #tpu.memory_space<hbm>>
        tpu.wait_dma2 semaphore(%run_scoped3A : memref<!tpu.dma_semaphore, #tpu.memory_space<semaphore_mem>>) src(%dma_wait3A_356 : memref<104x128xf32, #tpu.memory_space<hbm>>) dst(%dma_wait3A_353 : memref<104x128xf32, #tpu.memory_space<vmem_shared>>)
        tpu.yield
      }) : () -> ()
    } else {
    }
    %mul3A_9 = arith.constant 8 : i32
    %mul3A_10 = arith.muli %add3A, %mul3A_9 : i32
    "tpu.region"() ({
      %run_scoped3A = tpu.sem_alloc : memref<!tpu.dma_semaphore, #tpu.memory_space<semaphore_mem>>
      %dma_start3A_345 = arith.constant 0 : i32
      %dma_start3A_346 = tpu.memref_slice %arg3[%mul3A_10, %dma_start3A_345] : memref<256x64xi32, #tpu.memory_space<hbm>> -> memref<8x64xi32, #tpu.memory_space<hbm>>
      %dma_start3A_347 = arith.constant 0 : i32
      %dma_start3A_348 = tpu.memref_slice %arg3[%mul3A_10, %dma_start3A_347] : memref<256x64xi32, #tpu.memory_space<hbm>> -> memref<8x64xi32, #tpu.memory_space<hbm>>
      tpu.enqueue_dma source(%dma_start3A_348 : memref<8x64xi32, #tpu.memory_space<hbm>>) target(%arg6 : memref<8x64xi32, #tpu.memory_space<vmem>>) target_semaphore(%run_scoped3A : memref<!tpu.dma_semaphore, #tpu.memory_space<semaphore_mem>>)
      %dma_wait3A_349 = arith.constant 0 : i32
      %dma_wait3A_350 = tpu.memref_slice %arg3[%mul3A_10, %dma_wait3A_349] : memref<256x64xi32, #tpu.memory_space<hbm>> -> memref<8x64xi32, #tpu.memory_space<hbm>>
      %dma_wait3A_351 = arith.constant 0 : i32
      %dma_wait3A_352 = tpu.memref_slice %arg3[%mul3A_10, %dma_wait3A_351] : memref<256x64xi32, #tpu.memory_space<hbm>> -> memref<8x64xi32, #tpu.memory_space<hbm>>
      tpu.wait_dma2 semaphore(%run_scoped3A : memref<!tpu.dma_semaphore, #tpu.memory_space<semaphore_mem>>) src(%dma_wait3A_352 : memref<8x64xi32, #tpu.memory_space<hbm>>) dst(%arg6 : memref<8x64xi32, #tpu.memory_space<vmem>>)
      tpu.yield
    }) : () -> ()
    %barrier3A = arith.constant 0 : index
    tpu.barrier barrier_id(%barrier3A)
    %dma_start3A = arith.constant 0 : i32
    %dma_start3A_11 = arith.constant 0 : i32
    %dma_start3A_12 = arith.constant 0 : i32
    %dma_start3A_13 = tpu.memref_slice %arg7[%dma_start3A_11, %dma_start3A_12] : memref<512x128xf32, #tpu.memory_space<vmem>> -> memref<64x128xf32, #tpu.memory_space<vmem>>
    %dma_start3A_14 = arith.constant 0 : i32
    %dma_start3A_15 = tpu.memref_slice %arg6[%dma_start3A, %dma_start3A_14] : memref<8x64xi32, #tpu.memory_space<vmem>> -> memref<1x64xi32, #tpu.memory_space<vmem>>
    %dma_start3A_16 = tpu.memref_squeeze %dma_start3A_15 : memref<1x64xi32, #tpu.memory_space<vmem>> -> memref<64xi32, #tpu.memory_space<vmem>>
    %dma_start3A_17 = arith.constant 0 : i32
    %dma_start3A_18 = arith.constant 0 : i32
    %dma_start3A_19 = tpu.memref_slice %arg5[%dma_start3A_17, %dma_start3A_18] : memref<1000x128xf32, #tpu.memory_space<vmem_shared>> -> memref<1000x128xf32, #tpu.memory_space<vmem_shared>>
    tpu.enqueue_indirect_dma source(%dma_start3A_19 : memref<1000x128xf32, #tpu.memory_space<vmem_shared>>) target(%dma_start3A_13 : memref<64x128xf32, #tpu.memory_space<vmem>>) offsets(%dma_start3A_16 : memref<64xi32, #tpu.memory_space<vmem>>) semaphore(%arg8 : memref<!tpu.dma_semaphore, #tpu.memory_space<semaphore_mem>>)
    %dma_start3A_20 = arith.constant 1 : i32
    %dma_start3A_21 = arith.constant 64 : i32
    %dma_start3A_22 = arith.constant 0 : i32
    %dma_start3A_23 = tpu.memref_slice %arg7[%dma_start3A_21, %dma_start3A_22] : memref<512x128xf32, #tpu.memory_space<vmem>> -> memref<64x128xf32, #tpu.memory_space<vmem>>
    %dma_start3A_24 = arith.constant 0 : i32
    %dma_start3A_25 = tpu.memref_slice %arg6[%dma_start3A_20, %dma_start3A_24] : memref<8x64xi32, #tpu.memory_space<vmem>> -> memref<1x64xi32, #tpu.memory_space<vmem>>
    %dma_start3A_26 = tpu.memref_squeeze %dma_start3A_25 : memref<1x64xi32, #tpu.memory_space<vmem>> -> memref<64xi32, #tpu.memory_space<vmem>>
    %dma_start3A_27 = arith.constant 0 : i32
    %dma_start3A_28 = arith.constant 0 : i32
    %dma_start3A_29 = tpu.memref_slice %arg5[%dma_start3A_27, %dma_start3A_28] : memref<1000x128xf32, #tpu.memory_space<vmem_shared>> -> memref<1000x128xf32, #tpu.memory_space<vmem_shared>>
    tpu.enqueue_indirect_dma source(%dma_start3A_29 : memref<1000x128xf32, #tpu.memory_space<vmem_shared>>) target(%dma_start3A_23 : memref<64x128xf32, #tpu.memory_space<vmem>>) offsets(%dma_start3A_26 : memref<64xi32, #tpu.memory_space<vmem>>) semaphore(%arg9 : memref<!tpu.dma_semaphore, #tpu.memory_space<semaphore_mem>>)
    %dma_start3A_30 = arith.constant 2 : i32
    %dma_start3A_31 = arith.constant 128 : i32
    %dma_start3A_32 = arith.constant 0 : i32
    %dma_start3A_33 = tpu.memref_slice %arg7[%dma_start3A_31, %dma_start3A_32] : memref<512x128xf32, #tpu.memory_space<vmem>> -> memref<64x128xf32, #tpu.memory_space<vmem>>
    %dma_start3A_34 = arith.constant 0 : i32
    %dma_start3A_35 = tpu.memref_slice %arg6[%dma_start3A_30, %dma_start3A_34] : memref<8x64xi32, #tpu.memory_space<vmem>> -> memref<1x64xi32, #tpu.memory_space<vmem>>
    %dma_start3A_36 = tpu.memref_squeeze %dma_start3A_35 : memref<1x64xi32, #tpu.memory_space<vmem>> -> memref<64xi32, #tpu.memory_space<vmem>>
    %dma_start3A_37 = arith.constant 0 : i32
    %dma_start3A_38 = arith.constant 0 : i32
    %dma_start3A_39 = tpu.memref_slice %arg5[%dma_start3A_37, %dma_start3A_38] : memref<1000x128xf32, #tpu.memory_space<vmem_shared>> -> memref<1000x128xf32, #tpu.memory_space<vmem_shared>>
    tpu.enqueue_indirect_dma source(%dma_start3A_39 : memref<1000x128xf32, #tpu.memory_space<vmem_shared>>) target(%dma_start3A_33 : memref<64x128xf32, #tpu.memory_space<vmem>>) offsets(%dma_start3A_36 : memref<64xi32, #tpu.memory_space<vmem>>) semaphore(%arg10 : memref<!tpu.dma_semaphore, #tpu.memory_space<semaphore_mem>>)
    %dma_start3A_40 = arith.constant 3 : i32
    %dma_start3A_41 = arith.constant 192 : i32
    %dma_start3A_42 = arith.constant 0 : i32
    %dma_start3A_43 = tpu.memref_slice %arg7[%dma_start3A_41, %dma_start3A_42] : memref<512x128xf32, #tpu.memory_space<vmem>> -> memref<64x128xf32, #tpu.memory_space<vmem>>
    %dma_start3A_44 = arith.constant 0 : i32
    %dma_start3A_45 = tpu.memref_slice %arg6[%dma_start3A_40, %dma_start3A_44] : memref<8x64xi32, #tpu.memory_space<vmem>> -> memref<1x64xi32, #tpu.memory_space<vmem>>
    %dma_start3A_46 = tpu.memref_squeeze %dma_start3A_45 : memref<1x64xi32, #tpu.memory_space<vmem>> -> memref<64xi32, #tpu.memory_space<vmem>>
    %dma_start3A_47 = arith.constant 0 : i32
    %dma_start3A_48 = arith.constant 0 : i32
    %dma_start3A_49 = tpu.memref_slice %arg5[%dma_start3A_47, %dma_start3A_48] : memref<1000x128xf32, #tpu.memory_space<vmem_shared>> -> memref<1000x128xf32, #tpu.memory_space<vmem_shared>>
    tpu.enqueue_indirect_dma source(%dma_start3A_49 : memref<1000x128xf32, #tpu.memory_space<vmem_shared>>) target(%dma_start3A_43 : memref<64x128xf32, #tpu.memory_space<vmem>>) offsets(%dma_start3A_46 : memref<64xi32, #tpu.memory_space<vmem>>) semaphore(%arg11 : memref<!tpu.dma_semaphore, #tpu.memory_space<semaphore_mem>>)
    %dma_start3A_50 = arith.constant 4 : i32
    %dma_start3A_51 = arith.constant 256 : i32
    %dma_start3A_52 = arith.constant 0 : i32
    %dma_start3A_53 = tpu.memref_slice %arg7[%dma_start3A_51, %dma_start3A_52] : memref<512x128xf32, #tpu.memory_space<vmem>> -> memref<64x128xf32, #tpu.memory_space<vmem>>
    %dma_start3A_54 = arith.constant 0 : i32
    %dma_start3A_55 = tpu.memref_slice %arg6[%dma_start3A_50, %dma_start3A_54] : memref<8x64xi32, #tpu.memory_space<vmem>> -> memref<1x64xi32, #tpu.memory_space<vmem>>
    %dma_start3A_56 = tpu.memref_squeeze %dma_start3A_55 : memref<1x64xi32, #tpu.memory_space<vmem>> -> memref<64xi32, #tpu.memory_space<vmem>>
    %dma_start3A_57 = arith.constant 0 : i32
    %dma_start3A_58 = arith.constant 0 : i32
    %dma_start3A_59 = tpu.memref_slice %arg5[%dma_start3A_57, %dma_start3A_58] : memref<1000x128xf32, #tpu.memory_space<vmem_shared>> -> memref<1000x128xf32, #tpu.memory_space<vmem_shared>>
    tpu.enqueue_indirect_dma source(%dma_start3A_59 : memref<1000x128xf32, #tpu.memory_space<vmem_shared>>) target(%dma_start3A_53 : memref<64x128xf32, #tpu.memory_space<vmem>>) offsets(%dma_start3A_56 : memref<64xi32, #tpu.memory_space<vmem>>) semaphore(%arg12 : memref<!tpu.dma_semaphore, #tpu.memory_space<semaphore_mem>>)
    %dma_start3A_60 = arith.constant 5 : i32
    %dma_start3A_61 = arith.constant 320 : i32
    %dma_start3A_62 = arith.constant 0 : i32
    %dma_start3A_63 = tpu.memref_slice %arg7[%dma_start3A_61, %dma_start3A_62] : memref<512x128xf32, #tpu.memory_space<vmem>> -> memref<64x128xf32, #tpu.memory_space<vmem>>
    %dma_start3A_64 = arith.constant 0 : i32
    %dma_start3A_65 = tpu.memref_slice %arg6[%dma_start3A_60, %dma_start3A_64] : memref<8x64xi32, #tpu.memory_space<vmem>> -> memref<1x64xi32, #tpu.memory_space<vmem>>
    %dma_start3A_66 = tpu.memref_squeeze %dma_start3A_65 : memref<1x64xi32, #tpu.memory_space<vmem>> -> memref<64xi32, #tpu.memory_space<vmem>>
    %dma_start3A_67 = arith.constant 0 : i32
    %dma_start3A_68 = arith.constant 0 : i32
    %dma_start3A_69 = tpu.memref_slice %arg5[%dma_start3A_67, %dma_start3A_68] : memref<1000x128xf32, #tpu.memory_space<vmem_shared>> -> memref<1000x128xf32, #tpu.memory_space<vmem_shared>>
    tpu.enqueue_indirect_dma source(%dma_start3A_69 : memref<1000x128xf32, #tpu.memory_space<vmem_shared>>) target(%dma_start3A_63 : memref<64x128xf32, #tpu.memory_space<vmem>>) offsets(%dma_start3A_66 : memref<64xi32, #tpu.memory_space<vmem>>) semaphore(%arg13 : memref<!tpu.dma_semaphore, #tpu.memory_space<semaphore_mem>>)
    %dma_start3A_70 = arith.constant 6 : i32
    %dma_start3A_71 = arith.constant 384 : i32
    %dma_start3A_72 = arith.constant 0 : i32
    %dma_start3A_73 = tpu.memref_slice %arg7[%dma_start3A_71, %dma_start3A_72] : memref<512x128xf32, #tpu.memory_space<vmem>> -> memref<64x128xf32, #tpu.memory_space<vmem>>
    %dma_start3A_74 = arith.constant 0 : i32
    %dma_start3A_75 = tpu.memref_slice %arg6[%dma_start3A_70, %dma_start3A_74] : memref<8x64xi32, #tpu.memory_space<vmem>> -> memref<1x64xi32, #tpu.memory_space<vmem>>
    %dma_start3A_76 = tpu.memref_squeeze %dma_start3A_75 : memref<1x64xi32, #tpu.memory_space<vmem>> -> memref<64xi32, #tpu.memory_space<vmem>>
    %dma_start3A_77 = arith.constant 0 : i32
    %dma_start3A_78 = arith.constant 0 : i32
    %dma_start3A_79 = tpu.memref_slice %arg5[%dma_start3A_77, %dma_start3A_78] : memref<1000x128xf32, #tpu.memory_space<vmem_shared>> -> memref<1000x128xf32, #tpu.memory_space<vmem_shared>>
    tpu.enqueue_indirect_dma source(%dma_start3A_79 : memref<1000x128xf32, #tpu.memory_space<vmem_shared>>) target(%dma_start3A_73 : memref<64x128xf32, #tpu.memory_space<vmem>>) offsets(%dma_start3A_76 : memref<64xi32, #tpu.memory_space<vmem>>) semaphore(%arg14 : memref<!tpu.dma_semaphore, #tpu.memory_space<semaphore_mem>>)
    %dma_start3A_80 = arith.constant 7 : i32
    %dma_start3A_81 = arith.constant 448 : i32
    %dma_start3A_82 = arith.constant 0 : i32
    %dma_start3A_83 = tpu.memref_slice %arg7[%dma_start3A_81, %dma_start3A_82] : memref<512x128xf32, #tpu.memory_space<vmem>> -> memref<64x128xf32, #tpu.memory_space<vmem>>
    %dma_start3A_84 = arith.constant 0 : i32
    %dma_start3A_85 = tpu.memref_slice %arg6[%dma_start3A_80, %dma_start3A_84] : memref<8x64xi32, #tpu.memory_space<vmem>> -> memref<1x64xi32, #tpu.memory_space<vmem>>
    %dma_start3A_86 = tpu.memref_squeeze %dma_start3A_85 : memref<1x64xi32, #tpu.memory_space<vmem>> -> memref<64xi32, #tpu.memory_space<vmem>>
    %dma_start3A_87 = arith.constant 0 : i32
    %dma_start3A_88 = arith.constant 0 : i32
    %dma_start3A_89 = tpu.memref_slice %arg5[%dma_start3A_87, %dma_start3A_88] : memref<1000x128xf32, #tpu.memory_space<vmem_shared>> -> memref<1000x128xf32, #tpu.memory_space<vmem_shared>>
    tpu.enqueue_indirect_dma source(%dma_start3A_89 : memref<1000x128xf32, #tpu.memory_space<vmem_shared>>) target(%dma_start3A_83 : memref<64x128xf32, #tpu.memory_space<vmem>>) offsets(%dma_start3A_86 : memref<64xi32, #tpu.memory_space<vmem>>) semaphore(%arg15 : memref<!tpu.dma_semaphore, #tpu.memory_space<semaphore_mem>>)
    %dma_wait3A = arith.constant 0 : i32
    %dma_wait3A_90 = arith.constant 0 : i32
    %dma_wait3A_91 = arith.constant 0 : i32
    %dma_wait3A_92 = tpu.memref_slice %arg7[%dma_wait3A_90, %dma_wait3A_91] : memref<512x128xf32, #tpu.memory_space<vmem>> -> memref<64x128xf32, #tpu.memory_space<vmem>>
    %dma_wait3A_93 = arith.constant 0 : i32
    %dma_wait3A_94 = tpu.memref_slice %arg6[%dma_wait3A, %dma_wait3A_93] : memref<8x64xi32, #tpu.memory_space<vmem>> -> memref<1x64xi32, #tpu.memory_space<vmem>>
    %dma_wait3A_95 = tpu.memref_squeeze %dma_wait3A_94 : memref<1x64xi32, #tpu.memory_space<vmem>> -> memref<64xi32, #tpu.memory_space<vmem>>
    %dma_wait3A_96 = arith.constant 0 : i32
    %dma_wait3A_97 = arith.constant 0 : i32
    %dma_wait3A_98 = tpu.memref_slice %arg5[%dma_wait3A_96, %dma_wait3A_97] : memref<1000x128xf32, #tpu.memory_space<vmem_shared>> -> memref<1000x128xf32, #tpu.memory_space<vmem_shared>>
    tpu.wait_indirect_dma semaphore(%arg8 : memref<!tpu.dma_semaphore, #tpu.memory_space<semaphore_mem>>) src(%dma_wait3A_98 : memref<1000x128xf32, #tpu.memory_space<vmem_shared>>) dst(%dma_wait3A_92 : memref<64x128xf32, #tpu.memory_space<vmem>>)
    %add3A_99 = arith.constant 0 : i32
    %add3A_100 = arith.addi %mul3A_2, %add3A_99 : i32
    %dma_start3A_101 = arith.constant 0 : i32
    %dma_start3A_102 = arith.constant 0 : i32
    %dma_start3A_103 = tpu.memref_slice %arg7[%dma_start3A_101, %dma_start3A_102] : memref<512x128xf32, #tpu.memory_space<vmem>> -> memref<64x128xf32, #tpu.memory_space<vmem>>
    %dma_start3A_104 = arith.constant 0 : i32
    %dma_start3A_105 = tpu.memref_slice %arg4[%add3A_100, %dma_start3A_104] : memref<16384x128xf32, #tpu.memory_space<hbm>> -> memref<64x128xf32, #tpu.memory_space<hbm>>
    %dma_start3A_106 = arith.constant 0 : i32
    %dma_start3A_107 = tpu.memref_slice %arg4[%add3A_100, %dma_start3A_106] : memref<16384x128xf32, #tpu.memory_space<hbm>> -> memref<64x128xf32, #tpu.memory_space<hbm>>
    %dma_start3A_108 = arith.constant 0 : i32
    %dma_start3A_109 = arith.constant 0 : i32
    %dma_start3A_110 = tpu.memref_slice %arg7[%dma_start3A_108, %dma_start3A_109] : memref<512x128xf32, #tpu.memory_space<vmem>> -> memref<64x128xf32, #tpu.memory_space<vmem>>
    tpu.enqueue_dma source(%dma_start3A_110 : memref<64x128xf32, #tpu.memory_space<vmem>>) target(%dma_start3A_107 : memref<64x128xf32, #tpu.memory_space<hbm>>) target_semaphore(%arg16 : memref<!tpu.dma_semaphore, #tpu.memory_space<semaphore_mem>>)
    %dma_wait3A_111 = arith.constant 1 : i32
    %dma_wait3A_112 = arith.constant 64 : i32
    %dma_wait3A_113 = arith.constant 0 : i32
    %dma_wait3A_114 = tpu.memref_slice %arg7[%dma_wait3A_112, %dma_wait3A_113] : memref<512x128xf32, #tpu.memory_space<vmem>> -> memref<64x128xf32, #tpu.memory_space<vmem>>
    %dma_wait3A_115 = arith.constant 0 : i32
    %dma_wait3A_116 = tpu.memref_slice %arg6[%dma_wait3A_111, %dma_wait3A_115] : memref<8x64xi32, #tpu.memory_space<vmem>> -> memref<1x64xi32, #tpu.memory_space<vmem>>
    %dma_wait3A_117 = tpu.memref_squeeze %dma_wait3A_116 : memref<1x64xi32, #tpu.memory_space<vmem>> -> memref<64xi32, #tpu.memory_space<vmem>>
    %dma_wait3A_118 = arith.constant 0 : i32
    %dma_wait3A_119 = arith.constant 0 : i32
    %dma_wait3A_120 = tpu.memref_slice %arg5[%dma_wait3A_118, %dma_wait3A_119] : memref<1000x128xf32, #tpu.memory_space<vmem_shared>> -> memref<1000x128xf32, #tpu.memory_space<vmem_shared>>
    tpu.wait_indirect_dma semaphore(%arg9 : memref<!tpu.dma_semaphore, #tpu.memory_space<semaphore_mem>>) src(%dma_wait3A_120 : memref<1000x128xf32, #tpu.memory_space<vmem_shared>>) dst(%dma_wait3A_114 : memref<64x128xf32, #tpu.memory_space<vmem>>)
    %add3A_121 = arith.constant 64 : i32
    %add3A_122 = arith.addi %mul3A_2, %add3A_121 : i32
    %dma_start3A_123 = arith.constant 64 : i32
    %dma_start3A_124 = arith.constant 0 : i32
    %dma_start3A_125 = tpu.memref_slice %arg7[%dma_start3A_123, %dma_start3A_124] : memref<512x128xf32, #tpu.memory_space<vmem>> -> memref<64x128xf32, #tpu.memory_space<vmem>>
    %dma_start3A_126 = arith.constant 0 : i32
    %dma_start3A_127 = tpu.memref_slice %arg4[%add3A_122, %dma_start3A_126] : memref<16384x128xf32, #tpu.memory_space<hbm>> -> memref<64x128xf32, #tpu.memory_space<hbm>>
    %dma_start3A_128 = arith.constant 0 : i32
    %dma_start3A_129 = tpu.memref_slice %arg4[%add3A_122, %dma_start3A_128] : memref<16384x128xf32, #tpu.memory_space<hbm>> -> memref<64x128xf32, #tpu.memory_space<hbm>>
    %dma_start3A_130 = arith.constant 64 : i32
    %dma_start3A_131 = arith.constant 0 : i32
    %dma_start3A_132 = tpu.memref_slice %arg7[%dma_start3A_130, %dma_start3A_131] : memref<512x128xf32, #tpu.memory_space<vmem>> -> memref<64x128xf32, #tpu.memory_space<vmem>>
    tpu.enqueue_dma source(%dma_start3A_132 : memref<64x128xf32, #tpu.memory_space<vmem>>) target(%dma_start3A_129 : memref<64x128xf32, #tpu.memory_space<hbm>>) target_semaphore(%arg16 : memref<!tpu.dma_semaphore, #tpu.memory_space<semaphore_mem>>)
    %dma_wait3A_133 = arith.constant 2 : i32
    %dma_wait3A_134 = arith.constant 128 : i32
    %dma_wait3A_135 = arith.constant 0 : i32
    %dma_wait3A_136 = tpu.memref_slice %arg7[%dma_wait3A_134, %dma_wait3A_135] : memref<512x128xf32, #tpu.memory_space<vmem>> -> memref<64x128xf32, #tpu.memory_space<vmem>>
    %dma_wait3A_137 = arith.constant 0 : i32
    %dma_wait3A_138 = tpu.memref_slice %arg6[%dma_wait3A_133, %dma_wait3A_137] : memref<8x64xi32, #tpu.memory_space<vmem>> -> memref<1x64xi32, #tpu.memory_space<vmem>>
    %dma_wait3A_139 = tpu.memref_squeeze %dma_wait3A_138 : memref<1x64xi32, #tpu.memory_space<vmem>> -> memref<64xi32, #tpu.memory_space<vmem>>
    %dma_wait3A_140 = arith.constant 0 : i32
    %dma_wait3A_141 = arith.constant 0 : i32
    %dma_wait3A_142 = tpu.memref_slice %arg5[%dma_wait3A_140, %dma_wait3A_141] : memref<1000x128xf32, #tpu.memory_space<vmem_shared>> -> memref<1000x128xf32, #tpu.memory_space<vmem_shared>>
    tpu.wait_indirect_dma semaphore(%arg10 : memref<!tpu.dma_semaphore, #tpu.memory_space<semaphore_mem>>) src(%dma_wait3A_142 : memref<1000x128xf32, #tpu.memory_space<vmem_shared>>) dst(%dma_wait3A_136 : memref<64x128xf32, #tpu.memory_space<vmem>>)
    %add3A_143 = arith.constant 128 : i32
    %add3A_144 = arith.addi %mul3A_2, %add3A_143 : i32
    %dma_start3A_145 = arith.constant 128 : i32
    %dma_start3A_146 = arith.constant 0 : i32
    %dma_start3A_147 = tpu.memref_slice %arg7[%dma_start3A_145, %dma_start3A_146] : memref<512x128xf32, #tpu.memory_space<vmem>> -> memref<64x128xf32, #tpu.memory_space<vmem>>
    %dma_start3A_148 = arith.constant 0 : i32
    %dma_start3A_149 = tpu.memref_slice %arg4[%add3A_144, %dma_start3A_148] : memref<16384x128xf32, #tpu.memory_space<hbm>> -> memref<64x128xf32, #tpu.memory_space<hbm>>
    %dma_start3A_150 = arith.constant 0 : i32
    %dma_start3A_151 = tpu.memref_slice %arg4[%add3A_144, %dma_start3A_150] : memref<16384x128xf32, #tpu.memory_space<hbm>> -> memref<64x128xf32, #tpu.memory_space<hbm>>
    %dma_start3A_152 = arith.constant 128 : i32
    %dma_start3A_153 = arith.constant 0 : i32
    %dma_start3A_154 = tpu.memref_slice %arg7[%dma_start3A_152, %dma_start3A_153] : memref<512x128xf32, #tpu.memory_space<vmem>> -> memref<64x128xf32, #tpu.memory_space<vmem>>
    tpu.enqueue_dma source(%dma_start3A_154 : memref<64x128xf32, #tpu.memory_space<vmem>>) target(%dma_start3A_151 : memref<64x128xf32, #tpu.memory_space<hbm>>) target_semaphore(%arg16 : memref<!tpu.dma_semaphore, #tpu.memory_space<semaphore_mem>>)
    %dma_wait3A_155 = arith.constant 3 : i32
    %dma_wait3A_156 = arith.constant 192 : i32
    %dma_wait3A_157 = arith.constant 0 : i32
    %dma_wait3A_158 = tpu.memref_slice %arg7[%dma_wait3A_156, %dma_wait3A_157] : memref<512x128xf32, #tpu.memory_space<vmem>> -> memref<64x128xf32, #tpu.memory_space<vmem>>
    %dma_wait3A_159 = arith.constant 0 : i32
    %dma_wait3A_160 = tpu.memref_slice %arg6[%dma_wait3A_155, %dma_wait3A_159] : memref<8x64xi32, #tpu.memory_space<vmem>> -> memref<1x64xi32, #tpu.memory_space<vmem>>
    %dma_wait3A_161 = tpu.memref_squeeze %dma_wait3A_160 : memref<1x64xi32, #tpu.memory_space<vmem>> -> memref<64xi32, #tpu.memory_space<vmem>>
    %dma_wait3A_162 = arith.constant 0 : i32
    %dma_wait3A_163 = arith.constant 0 : i32
    %dma_wait3A_164 = tpu.memref_slice %arg5[%dma_wait3A_162, %dma_wait3A_163] : memref<1000x128xf32, #tpu.memory_space<vmem_shared>> -> memref<1000x128xf32, #tpu.memory_space<vmem_shared>>
    tpu.wait_indirect_dma semaphore(%arg11 : memref<!tpu.dma_semaphore, #tpu.memory_space<semaphore_mem>>) src(%dma_wait3A_164 : memref<1000x128xf32, #tpu.memory_space<vmem_shared>>) dst(%dma_wait3A_158 : memref<64x128xf32, #tpu.memory_space<vmem>>)
    %add3A_165 = arith.constant 192 : i32
    %add3A_166 = arith.addi %mul3A_2, %add3A_165 : i32
    %dma_start3A_167 = arith.constant 192 : i32
    %dma_start3A_168 = arith.constant 0 : i32
    %dma_start3A_169 = tpu.memref_slice %arg7[%dma_start3A_167, %dma_start3A_168] : memref<512x128xf32, #tpu.memory_space<vmem>> -> memref<64x128xf32, #tpu.memory_space<vmem>>
    %dma_start3A_170 = arith.constant 0 : i32
    %dma_start3A_171 = tpu.memref_slice %arg4[%add3A_166, %dma_start3A_170] : memref<16384x128xf32, #tpu.memory_space<hbm>> -> memref<64x128xf32, #tpu.memory_space<hbm>>
    %dma_start3A_172 = arith.constant 0 : i32
    %dma_start3A_173 = tpu.memref_slice %arg4[%add3A_166, %dma_start3A_172] : memref<16384x128xf32, #tpu.memory_space<hbm>> -> memref<64x128xf32, #tpu.memory_space<hbm>>
    %dma_start3A_174 = arith.constant 192 : i32
    %dma_start3A_175 = arith.constant 0 : i32
    %dma_start3A_176 = tpu.memref_slice %arg7[%dma_start3A_174, %dma_start3A_175] : memref<512x128xf32, #tpu.memory_space<vmem>> -> memref<64x128xf32, #tpu.memory_space<vmem>>
    tpu.enqueue_dma source(%dma_start3A_176 : memref<64x128xf32, #tpu.memory_space<vmem>>) target(%dma_start3A_173 : memref<64x128xf32, #tpu.memory_space<hbm>>) target_semaphore(%arg16 : memref<!tpu.dma_semaphore, #tpu.memory_space<semaphore_mem>>)
    %dma_wait3A_177 = arith.constant 4 : i32
    %dma_wait3A_178 = arith.constant 256 : i32
    %dma_wait3A_179 = arith.constant 0 : i32
    %dma_wait3A_180 = tpu.memref_slice %arg7[%dma_wait3A_178, %dma_wait3A_179] : memref<512x128xf32, #tpu.memory_space<vmem>> -> memref<64x128xf32, #tpu.memory_space<vmem>>
    %dma_wait3A_181 = arith.constant 0 : i32
    %dma_wait3A_182 = tpu.memref_slice %arg6[%dma_wait3A_177, %dma_wait3A_181] : memref<8x64xi32, #tpu.memory_space<vmem>> -> memref<1x64xi32, #tpu.memory_space<vmem>>
    %dma_wait3A_183 = tpu.memref_squeeze %dma_wait3A_182 : memref<1x64xi32, #tpu.memory_space<vmem>> -> memref<64xi32, #tpu.memory_space<vmem>>
    %dma_wait3A_184 = arith.constant 0 : i32
    %dma_wait3A_185 = arith.constant 0 : i32
    %dma_wait3A_186 = tpu.memref_slice %arg5[%dma_wait3A_184, %dma_wait3A_185] : memref<1000x128xf32, #tpu.memory_space<vmem_shared>> -> memref<1000x128xf32, #tpu.memory_space<vmem_shared>>
    tpu.wait_indirect_dma semaphore(%arg12 : memref<!tpu.dma_semaphore, #tpu.memory_space<semaphore_mem>>) src(%dma_wait3A_186 : memref<1000x128xf32, #tpu.memory_space<vmem_shared>>) dst(%dma_wait3A_180 : memref<64x128xf32, #tpu.memory_space<vmem>>)
    %add3A_187 = arith.constant 256 : i32
    %add3A_188 = arith.addi %mul3A_2, %add3A_187 : i32
    %dma_start3A_189 = arith.constant 256 : i32
    %dma_start3A_190 = arith.constant 0 : i32
    %dma_start3A_191 = tpu.memref_slice %arg7[%dma_start3A_189, %dma_start3A_190] : memref<512x128xf32, #tpu.memory_space<vmem>> -> memref<64x128xf32, #tpu.memory_space<vmem>>
    %dma_start3A_192 = arith.constant 0 : i32
    %dma_start3A_193 = tpu.memref_slice %arg4[%add3A_188, %dma_start3A_192] : memref<16384x128xf32, #tpu.memory_space<hbm>> -> memref<64x128xf32, #tpu.memory_space<hbm>>
    %dma_start3A_194 = arith.constant 0 : i32
    %dma_start3A_195 = tpu.memref_slice %arg4[%add3A_188, %dma_start3A_194] : memref<16384x128xf32, #tpu.memory_space<hbm>> -> memref<64x128xf32, #tpu.memory_space<hbm>>
    %dma_start3A_196 = arith.constant 256 : i32
    %dma_start3A_197 = arith.constant 0 : i32
    %dma_start3A_198 = tpu.memref_slice %arg7[%dma_start3A_196, %dma_start3A_197] : memref<512x128xf32, #tpu.memory_space<vmem>> -> memref<64x128xf32, #tpu.memory_space<vmem>>
    tpu.enqueue_dma source(%dma_start3A_198 : memref<64x128xf32, #tpu.memory_space<vmem>>) target(%dma_start3A_195 : memref<64x128xf32, #tpu.memory_space<hbm>>) target_semaphore(%arg16 : memref<!tpu.dma_semaphore, #tpu.memory_space<semaphore_mem>>)
    %dma_wait3A_199 = arith.constant 5 : i32
    %dma_wait3A_200 = arith.constant 320 : i32
    %dma_wait3A_201 = arith.constant 0 : i32
    %dma_wait3A_202 = tpu.memref_slice %arg7[%dma_wait3A_200, %dma_wait3A_201] : memref<512x128xf32, #tpu.memory_space<vmem>> -> memref<64x128xf32, #tpu.memory_space<vmem>>
    %dma_wait3A_203 = arith.constant 0 : i32
    %dma_wait3A_204 = tpu.memref_slice %arg6[%dma_wait3A_199, %dma_wait3A_203] : memref<8x64xi32, #tpu.memory_space<vmem>> -> memref<1x64xi32, #tpu.memory_space<vmem>>
    %dma_wait3A_205 = tpu.memref_squeeze %dma_wait3A_204 : memref<1x64xi32, #tpu.memory_space<vmem>> -> memref<64xi32, #tpu.memory_space<vmem>>
    %dma_wait3A_206 = arith.constant 0 : i32
    %dma_wait3A_207 = arith.constant 0 : i32
    %dma_wait3A_208 = tpu.memref_slice %arg5[%dma_wait3A_206, %dma_wait3A_207] : memref<1000x128xf32, #tpu.memory_space<vmem_shared>> -> memref<1000x128xf32, #tpu.memory_space<vmem_shared>>
    tpu.wait_indirect_dma semaphore(%arg13 : memref<!tpu.dma_semaphore, #tpu.memory_space<semaphore_mem>>) src(%dma_wait3A_208 : memref<1000x128xf32, #tpu.memory_space<vmem_shared>>) dst(%dma_wait3A_202 : memref<64x128xf32, #tpu.memory_space<vmem>>)
    %add3A_209 = arith.constant 320 : i32
    %add3A_210 = arith.addi %mul3A_2, %add3A_209 : i32
    %dma_start3A_211 = arith.constant 320 : i32
    %dma_start3A_212 = arith.constant 0 : i32
    %dma_start3A_213 = tpu.memref_slice %arg7[%dma_start3A_211, %dma_start3A_212] : memref<512x128xf32, #tpu.memory_space<vmem>> -> memref<64x128xf32, #tpu.memory_space<vmem>>
    %dma_start3A_214 = arith.constant 0 : i32
    %dma_start3A_215 = tpu.memref_slice %arg4[%add3A_210, %dma_start3A_214] : memref<16384x128xf32, #tpu.memory_space<hbm>> -> memref<64x128xf32, #tpu.memory_space<hbm>>
    %dma_start3A_216 = arith.constant 0 : i32
    %dma_start3A_217 = tpu.memref_slice %arg4[%add3A_210, %dma_start3A_216] : memref<16384x128xf32, #tpu.memory_space<hbm>> -> memref<64x128xf32, #tpu.memory_space<hbm>>
    %dma_start3A_218 = arith.constant 320 : i32
    %dma_start3A_219 = arith.constant 0 : i32
    %dma_start3A_220 = tpu.memref_slice %arg7[%dma_start3A_218, %dma_start3A_219] : memref<512x128xf32, #tpu.memory_space<vmem>> -> memref<64x128xf32, #tpu.memory_space<vmem>>
    tpu.enqueue_dma source(%dma_start3A_220 : memref<64x128xf32, #tpu.memory_space<vmem>>) target(%dma_start3A_217 : memref<64x128xf32, #tpu.memory_space<hbm>>) target_semaphore(%arg16 : memref<!tpu.dma_semaphore, #tpu.memory_space<semaphore_mem>>)
    %dma_wait3A_221 = arith.constant 6 : i32
    %dma_wait3A_222 = arith.constant 384 : i32
    %dma_wait3A_223 = arith.constant 0 : i32
    %dma_wait3A_224 = tpu.memref_slice %arg7[%dma_wait3A_222, %dma_wait3A_223] : memref<512x128xf32, #tpu.memory_space<vmem>> -> memref<64x128xf32, #tpu.memory_space<vmem>>
    %dma_wait3A_225 = arith.constant 0 : i32
    %dma_wait3A_226 = tpu.memref_slice %arg6[%dma_wait3A_221, %dma_wait3A_225] : memref<8x64xi32, #tpu.memory_space<vmem>> -> memref<1x64xi32, #tpu.memory_space<vmem>>
    %dma_wait3A_227 = tpu.memref_squeeze %dma_wait3A_226 : memref<1x64xi32, #tpu.memory_space<vmem>> -> memref<64xi32, #tpu.memory_space<vmem>>
    %dma_wait3A_228 = arith.constant 0 : i32
    %dma_wait3A_229 = arith.constant 0 : i32
    %dma_wait3A_230 = tpu.memref_slice %arg5[%dma_wait3A_228, %dma_wait3A_229] : memref<1000x128xf32, #tpu.memory_space<vmem_shared>> -> memref<1000x128xf32, #tpu.memory_space<vmem_shared>>
    tpu.wait_indirect_dma semaphore(%arg14 : memref<!tpu.dma_semaphore, #tpu.memory_space<semaphore_mem>>) src(%dma_wait3A_230 : memref<1000x128xf32, #tpu.memory_space<vmem_shared>>) dst(%dma_wait3A_224 : memref<64x128xf32, #tpu.memory_space<vmem>>)
    %add3A_231 = arith.constant 384 : i32
    %add3A_232 = arith.addi %mul3A_2, %add3A_231 : i32
    %dma_start3A_233 = arith.constant 384 : i32
    %dma_start3A_234 = arith.constant 0 : i32
    %dma_start3A_235 = tpu.memref_slice %arg7[%dma_start3A_233, %dma_start3A_234] : memref<512x128xf32, #tpu.memory_space<vmem>> -> memref<64x128xf32, #tpu.memory_space<vmem>>
    %dma_start3A_236 = arith.constant 0 : i32
    %dma_start3A_237 = tpu.memref_slice %arg4[%add3A_232, %dma_start3A_236] : memref<16384x128xf32, #tpu.memory_space<hbm>> -> memref<64x128xf32, #tpu.memory_space<hbm>>
    %dma_start3A_238 = arith.constant 0 : i32
    %dma_start3A_239 = tpu.memref_slice %arg4[%add3A_232, %dma_start3A_238] : memref<16384x128xf32, #tpu.memory_space<hbm>> -> memref<64x128xf32, #tpu.memory_space<hbm>>
    %dma_start3A_240 = arith.constant 384 : i32
    %dma_start3A_241 = arith.constant 0 : i32
    %dma_start3A_242 = tpu.memref_slice %arg7[%dma_start3A_240, %dma_start3A_241] : memref<512x128xf32, #tpu.memory_space<vmem>> -> memref<64x128xf32, #tpu.memory_space<vmem>>
    tpu.enqueue_dma source(%dma_start3A_242 : memref<64x128xf32, #tpu.memory_space<vmem>>) target(%dma_start3A_239 : memref<64x128xf32, #tpu.memory_space<hbm>>) target_semaphore(%arg16 : memref<!tpu.dma_semaphore, #tpu.memory_space<semaphore_mem>>)
    %dma_wait3A_243 = arith.constant 7 : i32
    %dma_wait3A_244 = arith.constant 448 : i32
    %dma_wait3A_245 = arith.constant 0 : i32
    %dma_wait3A_246 = tpu.memref_slice %arg7[%dma_wait3A_244, %dma_wait3A_245] : memref<512x128xf32, #tpu.memory_space<vmem>> -> memref<64x128xf32, #tpu.memory_space<vmem>>
    %dma_wait3A_247 = arith.constant 0 : i32
    %dma_wait3A_248 = tpu.memref_slice %arg6[%dma_wait3A_243, %dma_wait3A_247] : memref<8x64xi32, #tpu.memory_space<vmem>> -> memref<1x64xi32, #tpu.memory_space<vmem>>
    %dma_wait3A_249 = tpu.memref_squeeze %dma_wait3A_248 : memref<1x64xi32, #tpu.memory_space<vmem>> -> memref<64xi32, #tpu.memory_space<vmem>>
    %dma_wait3A_250 = arith.constant 0 : i32
    %dma_wait3A_251 = arith.constant 0 : i32
    %dma_wait3A_252 = tpu.memref_slice %arg5[%dma_wait3A_250, %dma_wait3A_251] : memref<1000x128xf32, #tpu.memory_space<vmem_shared>> -> memref<1000x128xf32, #tpu.memory_space<vmem_shared>>
    tpu.wait_indirect_dma semaphore(%arg15 : memref<!tpu.dma_semaphore, #tpu.memory_space<semaphore_mem>>) src(%dma_wait3A_252 : memref<1000x128xf32, #tpu.memory_space<vmem_shared>>) dst(%dma_wait3A_246 : memref<64x128xf32, #tpu.memory_space<vmem>>)
    %add3A_253 = arith.constant 448 : i32
    %add3A_254 = arith.addi %mul3A_2, %add3A_253 : i32
    %dma_start3A_255 = arith.constant 448 : i32
    %dma_start3A_256 = arith.constant 0 : i32
    %dma_start3A_257 = tpu.memref_slice %arg7[%dma_start3A_255, %dma_start3A_256] : memref<512x128xf32, #tpu.memory_space<vmem>> -> memref<64x128xf32, #tpu.memory_space<vmem>>
    %dma_start3A_258 = arith.constant 0 : i32
    %dma_start3A_259 = tpu.memref_slice %arg4[%add3A_254, %dma_start3A_258] : memref<16384x128xf32, #tpu.memory_space<hbm>> -> memref<64x128xf32, #tpu.memory_space<hbm>>
    %dma_start3A_260 = arith.constant 0 : i32
    %dma_start3A_261 = tpu.memref_slice %arg4[%add3A_254, %dma_start3A_260] : memref<16384x128xf32, #tpu.memory_space<hbm>> -> memref<64x128xf32, #tpu.memory_space<hbm>>
    %dma_start3A_262 = arith.constant 448 : i32
    %dma_start3A_263 = arith.constant 0 : i32
    %dma_start3A_264 = tpu.memref_slice %arg7[%dma_start3A_262, %dma_start3A_263] : memref<512x128xf32, #tpu.memory_space<vmem>> -> memref<64x128xf32, #tpu.memory_space<vmem>>
    tpu.enqueue_dma source(%dma_start3A_264 : memref<64x128xf32, #tpu.memory_space<vmem>>) target(%dma_start3A_261 : memref<64x128xf32, #tpu.memory_space<hbm>>) target_semaphore(%arg16 : memref<!tpu.dma_semaphore, #tpu.memory_space<semaphore_mem>>)
    %dma_wait3A_265 = arith.constant 0 : i32
    %dma_wait3A_266 = arith.constant 0 : i32
    %dma_wait3A_267 = tpu.memref_slice %arg7[%dma_wait3A_265, %dma_wait3A_266] : memref<512x128xf32, #tpu.memory_space<vmem>> -> memref<64x128xf32, #tpu.memory_space<vmem>>
    %dma_wait3A_268 = arith.constant 0 : i32
    %dma_wait3A_269 = tpu.memref_slice %arg4[%add3A_100, %dma_wait3A_268] : memref<16384x128xf32, #tpu.memory_space<hbm>> -> memref<64x128xf32, #tpu.memory_space<hbm>>
    %dma_wait3A_270 = arith.constant 0 : i32
    %dma_wait3A_271 = tpu.memref_slice %arg4[%add3A_100, %dma_wait3A_270] : memref<16384x128xf32, #tpu.memory_space<hbm>> -> memref<64x128xf32, #tpu.memory_space<hbm>>
    %dma_wait3A_272 = arith.constant 0 : i32
    %dma_wait3A_273 = arith.constant 0 : i32
    %dma_wait3A_274 = tpu.memref_slice %arg7[%dma_wait3A_272, %dma_wait3A_273] : memref<512x128xf32, #tpu.memory_space<vmem>> -> memref<64x128xf32, #tpu.memory_space<vmem>>
    tpu.wait_dma2 semaphore(%arg16 : memref<!tpu.dma_semaphore, #tpu.memory_space<semaphore_mem>>) src(%dma_wait3A_274 : memref<64x128xf32, #tpu.memory_space<vmem>>) dst(%dma_wait3A_271 : memref<64x128xf32, #tpu.memory_space<hbm>>)
    %dma_wait3A_275 = arith.constant 64 : i32
    %dma_wait3A_276 = arith.constant 0 : i32
    %dma_wait3A_277 = tpu.memref_slice %arg7[%dma_wait3A_275, %dma_wait3A_276] : memref<512x128xf32, #tpu.memory_space<vmem>> -> memref<64x128xf32, #tpu.memory_space<vmem>>
    %dma_wait3A_278 = arith.constant 0 : i32
    %dma_wait3A_279 = tpu.memref_slice %arg4[%add3A_122, %dma_wait3A_278] : memref<16384x128xf32, #tpu.memory_space<hbm>> -> memref<64x128xf32, #tpu.memory_space<hbm>>
    %dma_wait3A_280 = arith.constant 0 : i32
    %dma_wait3A_281 = tpu.memref_slice %arg4[%add3A_122, %dma_wait3A_280] : memref<16384x128xf32, #tpu.memory_space<hbm>> -> memref<64x128xf32, #tpu.memory_space<hbm>>
    %dma_wait3A_282 = arith.constant 64 : i32
    %dma_wait3A_283 = arith.constant 0 : i32
    %dma_wait3A_284 = tpu.memref_slice %arg7[%dma_wait3A_282, %dma_wait3A_283] : memref<512x128xf32, #tpu.memory_space<vmem>> -> memref<64x128xf32, #tpu.memory_space<vmem>>
    tpu.wait_dma2 semaphore(%arg16 : memref<!tpu.dma_semaphore, #tpu.memory_space<semaphore_mem>>) src(%dma_wait3A_284 : memref<64x128xf32, #tpu.memory_space<vmem>>) dst(%dma_wait3A_281 : memref<64x128xf32, #tpu.memory_space<hbm>>)
    %dma_wait3A_285 = arith.constant 128 : i32
    %dma_wait3A_286 = arith.constant 0 : i32
    %dma_wait3A_287 = tpu.memref_slice %arg7[%dma_wait3A_285, %dma_wait3A_286] : memref<512x128xf32, #tpu.memory_space<vmem>> -> memref<64x128xf32, #tpu.memory_space<vmem>>
    %dma_wait3A_288 = arith.constant 0 : i32
    %dma_wait3A_289 = tpu.memref_slice %arg4[%add3A_144, %dma_wait3A_288] : memref<16384x128xf32, #tpu.memory_space<hbm>> -> memref<64x128xf32, #tpu.memory_space<hbm>>
    %dma_wait3A_290 = arith.constant 0 : i32
    %dma_wait3A_291 = tpu.memref_slice %arg4[%add3A_144, %dma_wait3A_290] : memref<16384x128xf32, #tpu.memory_space<hbm>> -> memref<64x128xf32, #tpu.memory_space<hbm>>
    %dma_wait3A_292 = arith.constant 128 : i32
    %dma_wait3A_293 = arith.constant 0 : i32
    %dma_wait3A_294 = tpu.memref_slice %arg7[%dma_wait3A_292, %dma_wait3A_293] : memref<512x128xf32, #tpu.memory_space<vmem>> -> memref<64x128xf32, #tpu.memory_space<vmem>>
    tpu.wait_dma2 semaphore(%arg16 : memref<!tpu.dma_semaphore, #tpu.memory_space<semaphore_mem>>) src(%dma_wait3A_294 : memref<64x128xf32, #tpu.memory_space<vmem>>) dst(%dma_wait3A_291 : memref<64x128xf32, #tpu.memory_space<hbm>>)
    %dma_wait3A_295 = arith.constant 192 : i32
    %dma_wait3A_296 = arith.constant 0 : i32
    %dma_wait3A_297 = tpu.memref_slice %arg7[%dma_wait3A_295, %dma_wait3A_296] : memref<512x128xf32, #tpu.memory_space<vmem>> -> memref<64x128xf32, #tpu.memory_space<vmem>>
    %dma_wait3A_298 = arith.constant 0 : i32
    %dma_wait3A_299 = tpu.memref_slice %arg4[%add3A_166, %dma_wait3A_298] : memref<16384x128xf32, #tpu.memory_space<hbm>> -> memref<64x128xf32, #tpu.memory_space<hbm>>
    %dma_wait3A_300 = arith.constant 0 : i32
    %dma_wait3A_301 = tpu.memref_slice %arg4[%add3A_166, %dma_wait3A_300] : memref<16384x128xf32, #tpu.memory_space<hbm>> -> memref<64x128xf32, #tpu.memory_space<hbm>>
    %dma_wait3A_302 = arith.constant 192 : i32
    %dma_wait3A_303 = arith.constant 0 : i32
    %dma_wait3A_304 = tpu.memref_slice %arg7[%dma_wait3A_302, %dma_wait3A_303] : memref<512x128xf32, #tpu.memory_space<vmem>> -> memref<64x128xf32, #tpu.memory_space<vmem>>
    tpu.wait_dma2 semaphore(%arg16 : memref<!tpu.dma_semaphore, #tpu.memory_space<semaphore_mem>>) src(%dma_wait3A_304 : memref<64x128xf32, #tpu.memory_space<vmem>>) dst(%dma_wait3A_301 : memref<64x128xf32, #tpu.memory_space<hbm>>)
    %dma_wait3A_305 = arith.constant 256 : i32
    %dma_wait3A_306 = arith.constant 0 : i32
    %dma_wait3A_307 = tpu.memref_slice %arg7[%dma_wait3A_305, %dma_wait3A_306] : memref<512x128xf32, #tpu.memory_space<vmem>> -> memref<64x128xf32, #tpu.memory_space<vmem>>
    %dma_wait3A_308 = arith.constant 0 : i32
    %dma_wait3A_309 = tpu.memref_slice %arg4[%add3A_188, %dma_wait3A_308] : memref<16384x128xf32, #tpu.memory_space<hbm>> -> memref<64x128xf32, #tpu.memory_space<hbm>>
    %dma_wait3A_310 = arith.constant 0 : i32
    %dma_wait3A_311 = tpu.memref_slice %arg4[%add3A_188, %dma_wait3A_310] : memref<16384x128xf32, #tpu.memory_space<hbm>> -> memref<64x128xf32, #tpu.memory_space<hbm>>
    %dma_wait3A_312 = arith.constant 256 : i32
    %dma_wait3A_313 = arith.constant 0 : i32
    %dma_wait3A_314 = tpu.memref_slice %arg7[%dma_wait3A_312, %dma_wait3A_313] : memref<512x128xf32, #tpu.memory_space<vmem>> -> memref<64x128xf32, #tpu.memory_space<vmem>>
    tpu.wait_dma2 semaphore(%arg16 : memref<!tpu.dma_semaphore, #tpu.memory_space<semaphore_mem>>) src(%dma_wait3A_314 : memref<64x128xf32, #tpu.memory_space<vmem>>) dst(%dma_wait3A_311 : memref<64x128xf32, #tpu.memory_space<hbm>>)
    %dma_wait3A_315 = arith.constant 320 : i32
    %dma_wait3A_316 = arith.constant 0 : i32
    %dma_wait3A_317 = tpu.memref_slice %arg7[%dma_wait3A_315, %dma_wait3A_316] : memref<512x128xf32, #tpu.memory_space<vmem>> -> memref<64x128xf32, #tpu.memory_space<vmem>>
    %dma_wait3A_318 = arith.constant 0 : i32
    %dma_wait3A_319 = tpu.memref_slice %arg4[%add3A_210, %dma_wait3A_318] : memref<16384x128xf32, #tpu.memory_space<hbm>> -> memref<64x128xf32, #tpu.memory_space<hbm>>
    %dma_wait3A_320 = arith.constant 0 : i32
    %dma_wait3A_321 = tpu.memref_slice %arg4[%add3A_210, %dma_wait3A_320] : memref<16384x128xf32, #tpu.memory_space<hbm>> -> memref<64x128xf32, #tpu.memory_space<hbm>>
    %dma_wait3A_322 = arith.constant 320 : i32
    %dma_wait3A_323 = arith.constant 0 : i32
    %dma_wait3A_324 = tpu.memref_slice %arg7[%dma_wait3A_322, %dma_wait3A_323] : memref<512x128xf32, #tpu.memory_space<vmem>> -> memref<64x128xf32, #tpu.memory_space<vmem>>
    tpu.wait_dma2 semaphore(%arg16 : memref<!tpu.dma_semaphore, #tpu.memory_space<semaphore_mem>>) src(%dma_wait3A_324 : memref<64x128xf32, #tpu.memory_space<vmem>>) dst(%dma_wait3A_321 : memref<64x128xf32, #tpu.memory_space<hbm>>)
    %dma_wait3A_325 = arith.constant 384 : i32
    %dma_wait3A_326 = arith.constant 0 : i32
    %dma_wait3A_327 = tpu.memref_slice %arg7[%dma_wait3A_325, %dma_wait3A_326] : memref<512x128xf32, #tpu.memory_space<vmem>> -> memref<64x128xf32, #tpu.memory_space<vmem>>
    %dma_wait3A_328 = arith.constant 0 : i32
    %dma_wait3A_329 = tpu.memref_slice %arg4[%add3A_232, %dma_wait3A_328] : memref<16384x128xf32, #tpu.memory_space<hbm>> -> memref<64x128xf32, #tpu.memory_space<hbm>>
    %dma_wait3A_330 = arith.constant 0 : i32
    %dma_wait3A_331 = tpu.memref_slice %arg4[%add3A_232, %dma_wait3A_330] : memref<16384x128xf32, #tpu.memory_space<hbm>> -> memref<64x128xf32, #tpu.memory_space<hbm>>
    %dma_wait3A_332 = arith.constant 384 : i32
    %dma_wait3A_333 = arith.constant 0 : i32
    %dma_wait3A_334 = tpu.memref_slice %arg7[%dma_wait3A_332, %dma_wait3A_333] : memref<512x128xf32, #tpu.memory_space<vmem>> -> memref<64x128xf32, #tpu.memory_space<vmem>>
    tpu.wait_dma2 semaphore(%arg16 : memref<!tpu.dma_semaphore, #tpu.memory_space<semaphore_mem>>) src(%dma_wait3A_334 : memref<64x128xf32, #tpu.memory_space<vmem>>) dst(%dma_wait3A_331 : memref<64x128xf32, #tpu.memory_space<hbm>>)
    %dma_wait3A_335 = arith.constant 448 : i32
    %dma_wait3A_336 = arith.constant 0 : i32
    %dma_wait3A_337 = tpu.memref_slice %arg7[%dma_wait3A_335, %dma_wait3A_336] : memref<512x128xf32, #tpu.memory_space<vmem>> -> memref<64x128xf32, #tpu.memory_space<vmem>>
    %dma_wait3A_338 = arith.constant 0 : i32
    %dma_wait3A_339 = tpu.memref_slice %arg4[%add3A_254, %dma_wait3A_338] : memref<16384x128xf32, #tpu.memory_space<hbm>> -> memref<64x128xf32, #tpu.memory_space<hbm>>
    %dma_wait3A_340 = arith.constant 0 : i32
    %dma_wait3A_341 = tpu.memref_slice %arg4[%add3A_254, %dma_wait3A_340] : memref<16384x128xf32, #tpu.memory_space<hbm>> -> memref<64x128xf32, #tpu.memory_space<hbm>>
    %dma_wait3A_342 = arith.constant 448 : i32
    %dma_wait3A_343 = arith.constant 0 : i32
    %dma_wait3A_344 = tpu.memref_slice %arg7[%dma_wait3A_342, %dma_wait3A_343] : memref<512x128xf32, #tpu.memory_space<vmem>> -> memref<64x128xf32, #tpu.memory_space<vmem>>
    tpu.wait_dma2 semaphore(%arg16 : memref<!tpu.dma_semaphore, #tpu.memory_space<semaphore_mem>>) src(%dma_wait3A_344 : memref<64x128xf32, #tpu.memory_space<vmem>>) dst(%dma_wait3A_341 : memref<64x128xf32, #tpu.memory_space<hbm>>)
    return
  }
}

</mosaic_0001>

<sc_bundles>
// kernel: kernel.3.cloned.1.call-start
scs
__scs_entry_jumppad:
0x0: {  	(pc) =	sbr.rel $0x88, $3  }
0x1: {  	(tag) =	ssettag $0x0;
	lr =	simm.s32 $0x1  }
0x2: {  	[smem:$0x3F9F] =	sst lr;
	_ =	strace $0xD0000000  }
0x3: {  	_ = 	snop  }
0x4: {  	_ = 	snop  }
0x5: {  	_ = 	snop  }
0x6: {  	_ = 	snop  }
0x7: {  	_ = 	snop  }
__scs_overlays_trampoline_lowered:
0x8: {  	[smem:$0x3FAE] =	sst s0  }
0x9: {  	[smem:$0x3FAF] =	sst s1  }
0xa: {  	[smem:$0x3FB0] =	sst s2  }
0xb: {  	[smem:$0x3FB1] =	sst s3  }
0xc: {  	[smem:$0x3FB2] =	sst s4  }
0xd: {  	[smem:$0x3FB3] =	sst s5  }
0xe: {  	[smem:$0x3FB4] =	sst s6  }
0xf: {  	[smem:$0x3FB5] =	sst s7  }
0x10: {  	[smem:$0x3FB6] =	sst s8  }
0x11: {  	[smem:$0x3FB7] =	sst s9;
	s0 =	simm.s32 @!p0 $0x0  }
0x12: {  	s1 =	sld [smem:$0x3F9D];
	s0 =	simm.s32 @p0 $0x1  }
0x13: {  	[smem:$0x3FB8] =	sst s0;
	s0 =	simm.s32 @!p1 $0x0  }
0x14: {  	s2 =	sld [smem:$0x3F9C];
	s0 =	simm.s32 @p1 $0x1  }
0x15: {  	[smem:$0x3FB9] =	sst s0;
	s0 =	simm.s32 @!p2 $0x0  }
0x16: {  	s3 =	sld [smem:$0x3FDB];
	s0 =	simm.s32 @p2 $0x1  }
0x17: {  	s4 =	simm.s32 $0x1BF5;
	[smem:$0x3FBB] =	sst s0  }
0x18: {  	s0 =	sld [smem:$0x3F9E];
	_ =	swait.ge [sflag:s4], $0x0  }
0x19: {  	s7 =	sld [smem:$0x3F9F]  }
0x1a: {  	s8 =	sadd.s32 $0xFFFFE003, lr  }
0x1b: {  	s9 =	sadd.s32 $0xFFFFFEF7, lr;
	s5 =	simm.s32 $0xFFFFFFFF;
	p2 =	slt.u32 s8, $0xFFFFF086  }
0x1c: {  	p1 =	slt.u32 s9, $0xF7A;
	s5 =	simm.s32 @!p2 $0x0  }
0x1d: {  	s5 =	simm.s32 @p1 $0x1;
	p0 =	seq.s32 s7, s2  }
0x1e: {  	s7 =	smul.u32 @!p0 $0xF7A, s2;
	p2 =	seq.s32 @!p0 s5, $0x0  }
0x1f: {  	s9 =	smul.u32 $0xF7A, s1;
	s8 =	simm.s32 @!p0 $0x1BF5;
	p2 =	por !p2, p0  }
0x20: {  	[sflag:s8] =	ssyncset.s32 @!p0 $0xFFFFF086;
	s6 =	sadd.s32 @!p0 s3, s7;
	s7 =	simm.s32 @!p0 $0x108  }
0x21: {  	s3 =	sadd.s32 s3, s9;
	s6 =	sadd.s32 @!p0 $0x88, s6;
	s7 =	simm.s32 @p2 $0x1082  }
0x22: {  	[simem:s7], [sflag:s8] =	dma.local @!p0 [hbm:s6], $0xF7A  }
0x23: {  	s9 =	sor.u32 $0xD0000000, s2;
	s6 =	simm.s32 $0x108;
	_ =	swait.ge @!p0 [sflag:s8], $0x0  }
0x24: {  	s3 =	sadd.s32 $0x88, s3;
	s6 =	simm.s32 @!p1 $0x1082;
	[sflag:s4] =	ssyncset.s32 $0xFFFFF086  }
0x25: {  	[simem:s6], [sflag:s4] =	dma.local [hbm:s3], $0xF7A  }
0x26: {  	[smem:$0x3F9F] =	sst s1;
	(tag) =	ssettag s2;
	_ =	strace s9  }
0x27: {  	s1 =	sld [smem:$0x3FAF]  }
0x28: {  	s2 =	sld [smem:$0x3FB0]  }
0x29: {  	s4 =	sld [smem:$0x3FB2]  }
0x2a: {  	p0 =	seq.s32 s5, $0x0;
	s5 =	sld [smem:$0x3FB3]  }
0x2b: {  	s6 =	sld [smem:$0x3FB4]  }
0x2c: {  	s7 =	sld [smem:$0x3FB5]  }
0x2d: {  	s3 =	simm.s32 $0x108;
	s8 =	sld [smem:$0x3FB6]  }
0x2e: {  	s3 =	simm.s32 @!p0 $0x1082;
	s9 =	sld [smem:$0x3FB7]  }
0x2f: {  	lr =	sadd.s32 s0, s3;
	s0 =	sld [smem:$0x3FAE]  }
0x30: {  	s3 =	sld [smem:$0x3FB1]  }
0x31: {  	[smem:$0x3FBA] =	sst s10  }
0x32: {  	s10 =	sld [smem:$0x3FB8];
	_ =	sdelay $0x3  }
0x33: {  	p0 =	seq.s32 s10, $0x1;
	s10 =	sld [smem:$0x3FBA];
	_ =	sdelay $0x3  }
0x34: {  	[smem:$0x3FBA] =	sst s10  }
0x35: {  	s10 =	sld [smem:$0x3FB9];
	_ =	sdelay $0x3  }
0x36: {  	p1 =	seq.s32 s10, $0x1;
	s10 =	sld [smem:$0x3FBA];
	_ =	sdelay $0x3  }
0x37: {  	[smem:$0x3FBA] =	sst s10  }
0x38: {  	s10 =	sld [smem:$0x3FBB]  }
0x39: {  	_ = 	snop;
	(pc) =	sbr.ind lr, $3  }
0x3a: {  	_ = 	snop  }
0x3b: {  	_ = 	snop  }
0x3c: {  	p2 =	seq.s32 s10, $0x1;
	s10 =	sld [smem:$0x3FBA]  }
0x3d: {  	_ =	shalt  }
0x3e: {  	_ =	shalt  }
0x3f: {  	_ =	shalt  }
0x40: {  	_ =	shalt  }
0x41: {  	_ =	shalt  }
0x42: {  	_ =	shalt  }
0x43: {  	_ =	shalt  }
0x44: {  	_ =	shalt  }
0x45: {  	_ =	shalt  }
0x46: {  	_ =	shalt  }
0x47: {  	_ =	shalt  }
0x48: {  	_ =	shalt  }
0x49: {  	_ =	shalt  }
0x4a: {  	_ =	shalt  }
0x4b: {  	_ =	shalt  }
0x4c: {  	_ =	shalt  }
0x4d: {  	_ =	shalt  }
0x4e: {  	_ =	shalt  }
0x4f: {  	_ =	shalt  }
0x50: {  	_ =	shalt  }
0x51: {  	_ =	shalt  }
0x52: {  	_ =	shalt  }
0x53: {  	_ =	shalt  }
0x54: {  	_ =	shalt  }
0x55: {  	_ =	shalt  }
0x56: {  	_ =	shalt  }
0x57: {  	_ =	shalt  }
0x58: {  	_ =	shalt  }
0x59: {  	_ =	shalt  }
0x5a: {  	_ =	shalt  }
0x5b: {  	_ =	shalt  }
0x5c: {  	_ =	shalt  }
0x5d: {  	_ =	shalt  }
0x5e: {  	_ =	shalt  }
0x5f: {  	_ =	shalt  }
0x60: {  	_ =	shalt  }
0x61: {  	_ =	shalt  }
0x62: {  	_ =	shalt  }
0x63: {  	_ =	shalt  }
0x64: {  	_ =	shalt  }
0x65: {  	_ =	shalt  }
0x66: {  	_ =	shalt  }
0x67: {  	_ =	shalt  }
0x68: {  	_ =	shalt  }
0x69: {  	_ =	shalt  }
0x6a: {  	_ =	shalt  }
0x6b: {  	_ =	shalt  }
0x6c: {  	_ =	shalt  }
0x6d: {  	_ =	shalt  }
0x6e: {  	_ =	shalt  }
0x6f: {  	_ =	shalt  }
0x70: {  	_ =	shalt  }
0x71: {  	_ =	shalt  }
0x72: {  	_ =	shalt  }
0x73: {  	_ =	shalt  }
0x74: {  	_ =	shalt  }
0x75: {  	_ =	shalt  }
0x76: {  	_ =	shalt  }
0x77: {  	_ =	shalt  }
0x78: {  	_ =	shalt  }
0x79: {  	_ =	shalt  }
0x7a: {  	_ =	shalt  }
0x7b: {  	_ =	shalt  }
0x7c: {  	_ =	shalt  }
0x7d: {  	_ =	shalt  }
0x7e: {  	_ =	shalt  }
0x7f: {  	_ =	shalt  }
0x80: {  	_ =	shalt  }
0x81: {  	_ =	shalt  }
0x82: {  	_ =	shalt  }
0x83: {  	_ =	shalt  }
0x84: {  	_ =	shalt  }
0x85: {  	_ =	shalt  }
0x86: {  	_ =	shalt  }
0x87: {  	_ =	shalt  }
.Lfunc_end0:
.L_simem_size_0:
called_computation_lowered:
.L_overlay_start_0:
0x88: {  	s2 =	sld [smem:$0x3FD9]  }
0x89: {  	s3 =	sld [smem:$0x3FFE];
	_ =	sdelay $0x1  }
0x8a: {  	s1 =	srdreg.scid  }
0x8b: {  	s0 =	sand.u32 $0x1, s1  }
0x8c: {  	s17 =	sshll.u32 s0, $0xA;
	s2 =	sadd.s32 s3, s2  }
0x8d: {  	s2 =	sadd.s32 s2, s17  }
0x8e: {  	[smem:$0x3FC6] =	sst s2  }
0x8f: {  	_ = 	snop  }
0x90: {  	s2 =	sld [smem:$0x3FC8]  }
0x91: {  	s18 =	sld [smem:$0x3FD0];
	(tm) =	ssettm $0x1  }
0x92: {  	s4 =	sld [smem:$0x3FFB];
	_ =	sdelay $0x3  }
0x93: {  	_ =	strace s4  }
0x94: {  	s4 =	sld [smem:$0x3FFC];
	_ =	sdelay $0x3  }
0x95: {  	_ =	strace s4  }
0x96: {  	s4 =	sld [smem:$0x3FFD];
	_ =	sdelay $0x3  }
0x97: {  	_ =	strace s4  }
0x98: {  	_ =	strace $0x8FFFFFFF  }
0x99: {  	s19 =	sld [smem:$0x3FDB];
	_ =	sdelay $0x1  }
0x9a: {  	s5 =	simm.s32 $_scs_section_size  }
0x9b: {  	s6 =	simm.s32 $_size__tile_overlayer_lowered;
	s7 =	simm.s32 $_tile_overlayer_lowered  }
0x9c: {  	s22 =	simm.s32 $0x1BFF;
	s21 =	sshll.u32 s7, $0x1;
	s4 =	sadd.s32 s5, s19  }
0x9d: {  	s8 =	simm.s32 $0x0;
	s20 =	sshll.u32 s6, $0x1;
	s6 =	sadd.s32 s21, s4  }
0x9e: {  	[timem:s8], [sflag:s22] =	dma.local [hbm:s6], s20  }
0x9f: {  	_ =	swait.ge [sflag:s22], s20  }
0xa0: {  	s5 =	ssub.s32 $0x0, s20;
	[sflag:s22] =	ssyncset.done $0x0  }
0xa1: {  	[sflag:s22] =	ssyncadd.s32 s5;
	_ =	sdelay $0x1  }
0xa2: {  	s23 =	simm.s32 $0x1B8B  }
0xa3: {  	_ =	swait.ge [sflag:s23], $0x1  }
0xa4: {  	[sflag:s23] =	ssyncset.done $0x0  }
0xa5: {  	s25 =	simm.s32 $0x1B8E;
	s24 =	sld [smem:$0x3FFE];
	[sflag:s23] =	ssyncadd.s32 $0xFFFFFFFF  }
0xa6: {  	s26 =	simm.s32 $execute0_lowered;
	[smem:$0x3FD2] =	sst s25  }
0xa7: {  	s6 =	sshll.u32 s26, $0x1;
	_ =	strace $0x80000046;
	[dreg:$0x1] =	wrdreg $0xFFFFFFFF  }
0xa8: {  	s28 =	simm.s32 $_size_execute0_lowered;
	s4 =	sadd.s32 s4, s6;
	[dreg:$0x0] =	wrdreg $0x0  }
0xa9: {  	s6 =	sshll.u32 s28, $0x1;
	[dreg:$0x2] =	wrdreg s4  }
0xaa: {  	[dreg:$0x3] =	wrdreg s6  }
0xab: {  	[dreg:$0x4] =	wrdreg $0xC0  }
0xac: {  	_ =	task [dreg:s8], $0x5FFFF  }
0xad: {  	[dreg:$0x1] =	wrdreg $0xFFFFFFFF  }
0xae: {  	[dreg:$0x0] =	wrdreg $0x60  }
0xaf: {  	[dreg:$0x2] =	wrdreg s2  }
0xb0: {  	[dreg:$0x3] =	wrdreg s24  }
0xb1: {  	[dreg:$0x4] =	wrdreg s18  }
0xb2: {  	[dreg:$0x5] =	wrdreg $0x0  }
0xb3: {  	[dreg:$0x6] =	wrdreg $0x9  }
0xb4: {  	_ =	task.clear_ibuf [dreg:s8], $0x7FFFF;
	_ =	strace $0x90000046  }
0xb5: {  	s29 =	simm.s32 $0x9;
	_ =	strace $0x80000048  }
0xb6: {  	_ =	swait.ge [sflag:s29], $0x1  }
0xb7: {  	[sflag:s29] =	ssyncadd.s32 $0xFFFFFFFF  }
0xb8: {  	_ =	strace $0x90000048  }
0xb9: {  	_ =	sfence  }
0xba: {  	s30 =	sld [smem:$0x0];
	_ =	sdelay $0x2  }
0xbb: {  	s31 =	sshll.u32 s1, $0xD;
	s1 =	sshrl.u32 s1, $0x2  }
0xbc: {  	s3 =	sand.u32 $0x4000, s31;
	s1 =	sadd.s32 s1, s30  }
0xbd: {  	s0 =	sor.u32 s3, s0;
	s1 =	sshll.u32 s1, $0x11  }
0xbe: {  	s0 =	sor.u32 s1, s0  }
0xbf: {  	s0 =	sadd.s32 $0x8F2B, s0  }
0xc0: {  	[sflag:s0] =	ssyncadd.remote.s32 $0x1  }
0xc1: {  	_ =	sfence.sel $0xFFFF  }
0xc2: {  	[dreg:$0x0] =	wrdreg $0xFFFFFFFF;
	(pc) =	sbr.abs _section_cstart, $3  }
0xc3: {  	[dreg:$0x1] =	wrdreg $0xFFFFFFFF  }
0xc4: {  	_ =	task.clear_ibuf [dreg:s8], $0x2FFFF;
	_ =	strace $0x9FFFFFFF  }
0xc5: {  	(tm) =	ssettm $0x7FFFFFFF  }
tec
execute0_lowered:
.L_overlay_start_1:
0x0: {  	(tag) =	ssettag $0x1  }
0x1: {  	s4 =	rddreg [dreg:$0x0]  }
0x2: {  	s5 =	rddreg [dreg:$0x1]  }
0x3: {  	s6 =	rddreg [dreg:$0x2]  }
0x4: {  	s2 =	rddreg [dreg:$0x3]  }
0x5: {  	s0 =	srdreg.scid;
	s1 =	stileid.u32;
	s3 =	simm.s32 $0x0  }
0x6: {  	s23 =	simm.s32 $0x1FC0;
	[smem:$0x7FF] =	sst s3;
	s14 =	sadd.s32 $0x3800, s4  }
0x7: {  	s24 =	simm.s32 $0x2040;
	_ =	strace $0x80000047;
	[dreg:$0x5] =	wrdreg s14  }
0x8: {  	s25 =	simm.s32 $0x20C0;
	s26 =	simm.s32 $0x2140;
	[dreg:$0x12] =	wrdreg s23  }
0x9: {  	s0 =	sand.u32 $0x1, s0;
	s7 =	sshll.u32 s1, $0x1;
	[dreg:$0x13] =	wrdreg s24  }
0xa: {  	s9 =	sshll.u32 s1, $0xB;
	s7 =	sor.u32 s0, s7;
	[dreg:$0x14] =	wrdreg s25  }
0xb: {  	s4 =	sadd.s32 s4, s9;
	[dreg:$0x15] =	wrdreg s26;
	s8 =	sshll.u32 s7, $0x7  }
0xc: {  	s7 =	sshll.u32 s7, $0xD;
	[dreg:$0x6] =	wrdreg s4;
	s5 =	sadd.s32 s8, s5  }
0xd: {  	s4 =	sadd.s32 s6, s7;
	s8 =	rddreg [dreg:$0x5];
	s5 =	sadd.s32 $0x400, s5  }
0xe: {  	s15 =	sadd.s32 $0x400, s4;
	[dreg:$0x7] =	wrdreg s5  }
0xf: {  	s16 =	sadd.s32 $0x800, s4;
	[dreg:$0x8] =	wrdreg s15  }
0x10: {  	s17 =	sadd.s32 $0xC00, s4;
	[dreg:$0x9] =	wrdreg s16  }
0x11: {  	p0 =	sgt.u32 s1, $0x6;
	s19 =	sadd.s32 $0x1000, s4;
	[dreg:$0xa] =	wrdreg s17  }
0x12: {  	p1 =	sne.s32 @p0 s1, $0x7;
	s20 =	sadd.s32 $0x1400, s4;
	[dreg:$0xb] =	wrdreg s19  }
0x13: {  	p1 =	por p1, !p0;
	s21 =	sadd.s32 $0x1800, s4;
	[dreg:$0xc] =	wrdreg s20  }
0x14: {  	s6 =	sadd.s32 $0x1C000, s2;
	s22 =	sadd.s32 $0x1C00, s4;
	[dreg:$0xd] =	wrdreg s21  }
0x15: {  	[dreg:$0xe] =	wrdreg s22;
	s5 =	sshrl.u32 @!p1 s6, $0x3;
	s6 =	sshll.u32 @!p0 s1, $0x6  }
0x16: {  	s18 =	sshll.u32 s1, $0xE;
	[dreg:$0xf] =	wrdreg s5;
	s5 =	sor.u32 @!p0 $0x1C0A, s6  }
0x17: {  	s7 =	sadd.s32 s18, s2;
	[dreg:$0x10] =	wrdreg s5  }
0x18: {  	s5 =	sshrl.u32 @!p0 s7, $0x3;
	s7 =	rddreg [dreg:$0xf]  }
0x19: {  	s1 =	simm.s32 @!p1 $0x1DCA;
	s6 =	simm.s32 @!p1 $0xA;
	[dreg:$0x11] =	wrdreg s5  }
0x1a: {  	[spmem:s7], [sflag:s1] =	dma.local @!p1 [hbm:s8], $0x680  }
0x1b: {  	_ =	swait.ge @!p1 [sflag:s6], $0x680  }
0x1c: {  	s8 =	rddreg [dreg:$0x11]  }
0x1d: {  	s9 =	rddreg [dreg:$0x6];
	[sflag:s6] =	ssyncset.done @!p1 $0x0  }
0x1e: {  	s7 =	simm.s32 @!p0 $0xA;
	s10 =	rddreg [dreg:$0x10];
	[sflag:s6] =	ssyncadd.s32 @!p1 $0xFFFFF980  }
0x1f: {  	[spmem:s8], [sflag:s10] =	dma.local @!p0 [hbm:s9], $0x800  }
0x20: {  	_ =	swait.ge @!p0 [sflag:s7], $0x800  }
0x21: {  	s8 =	simm.s32 $0x1F40;
	[sflag:s7] =	ssyncset.done @!p0 $0x0  }
0x22: {  	s9 =	simm.s32 $0xA;
	s1 =	rddreg [dreg:$0x7];
	[sflag:s7] =	ssyncadd.s32 @!p0 $0xFFFFF800  }
0x23: {  	[tilespmem:s8], [sflag:$0xA] =	stream.linear.gather [hbm4b:s1+s3], $0x400, $0x38;
	[tilespmem:$0x12340] =	vst v63  }
0x24: {  	_ =	swait.ge [sflag:s9], $0x400  }
0x25: {  	[sflag:s9] =	ssyncset.done $0x0  }
0x26: {  	[sflag:s9] =	ssyncadd.s32 $0xFFFFFC00  }
0x27: {  	s11 =	simm.s32 $0x2340;
	s10 =	simm.s32 $0x40;
	[bflag:$0x0] =	sbarrier.arrive $0xFFFF  }
0x28: {  	[tilespmem:s11], [sflag:$0x1] =	stream.indirect.gather [spmem:s2], $0x80, s8, s10, $0xb8;
	[tilespmem:$0x12340] =	vst v63  }
0x29: {  	s12 =	simm.s32 $0x4340;
	s13 =	rddreg [dreg:$0x12]  }
0x2a: {  	[tilespmem:s12], [sflag:$0x2] =	stream.indirect.gather [spmem:s2], $0x80, s13, s10, $0xb8;
	[tilespmem:$0x12340] =	vst v63  }
0x2b: {  	s14 =	rddreg [dreg:$0x13];
	s13 =	simm.s32 $0x6340  }
0x2c: {  	[tilespmem:s13], [sflag:$0x3] =	stream.indirect.gather [spmem:s2], $0x80, s14, s10, $0xb8;
	[tilespmem:$0x12340] =	vst v63  }
0x2d: {  	s15 =	rddreg [dreg:$0x14];
	s14 =	simm.s32 $0x8340  }
0x2e: {  	[tilespmem:s14], [sflag:$0x4] =	stream.indirect.gather [spmem:s2], $0x80, s15, s10, $0xb8;
	[tilespmem:$0x12340] =	vst v63  }
0x2f: {  	s16 =	rddreg [dreg:$0x15];
	s15 =	simm.s32 $0xA340  }
0x30: {  	[tilespmem:s15], [sflag:$0x5] =	stream.indirect.gather [spmem:s2], $0x80, s16, s10, $0xb8;
	[tilespmem:$0x12340] =	vst v63  }
0x31: {  	s17 =	simm.s32 $0xC340;
	s5 =	simm.s32 $0x21C0  }
0x32: {  	[tilespmem:s17], [sflag:$0x6] =	stream.indirect.gather [spmem:s2], $0x80, s5, s10, $0xb8;
	[tilespmem:$0x12340] =	vst v63  }
0x33: {  	s18 =	simm.s32 $0x2240;
	s19 =	simm.s32 $0xE340  }
0x34: {  	[tilespmem:s19], [sflag:$0x7] =	stream.indirect.gather [spmem:s2], $0x80, s18, s10, $0xb8;
	[tilespmem:$0x12340] =	vst v63  }
0x35: {  	s20 =	simm.s32 $0x22C0;
	s21 =	simm.s32 $0x10340;
	s22 =	simm.s32 $0x1  }
0x36: {  	[tilespmem:s21], [sflag:$0x8] =	stream.indirect.gather [spmem:s2], $0x80, s20, s10, $0xb8;
	[tilespmem:$0x12340] =	vst v63  }
0x37: {  	_ =	swait.ge [sflag:s22], $0x2000  }
0x38: {  	[sflag:s22] =	ssyncset.done $0x0  }
0x39: {  	s23 =	simm.s32 $0x2;
	[sflag:s22] =	ssyncadd.s32 $0xFFFFE000  }
0x3a: {  	[hbm4b:s4+s3] =	stream.linear.scatter [tilespmem:s11], [sflag:$0x9], $0x2000, $0x38;
	[tilespmem:$0x12340] =	vst v63  }
0x3b: {  	_ =	swait.ge [sflag:s23], $0x2000  }
0x3c: {  	[sflag:s23] =	ssyncset.done $0x0  }
0x3d: {  	s24 =	rddreg [dreg:$0x8];
	[sflag:s23] =	ssyncadd.s32 $0xFFFFE000  }
0x3e: {  	[hbm4b:s24+s3] =	stream.linear.scatter [tilespmem:s12], [sflag:$0x9], $0x2000, $0x38;
	[tilespmem:$0x12340] =	vst v63  }
0x3f: {  	s24 =	simm.s32 $0x3  }
0x40: {  	_ =	swait.ge [sflag:s24], $0x2000  }
0x41: {  	[sflag:s24] =	ssyncset.done $0x0  }
0x42: {  	s25 =	rddreg [dreg:$0x9];
	[sflag:s24] =	ssyncadd.s32 $0xFFFFE000  }
0x43: {  	[hbm4b:s25+s3] =	stream.linear.scatter [tilespmem:s13], [sflag:$0x9], $0x2000, $0x38;
	[tilespmem:$0x12340] =	vst v63  }
0x44: {  	s25 =	simm.s32 $0x4  }
0x45: {  	_ =	swait.ge [sflag:s25], $0x2000  }
0x46: {  	[sflag:s25] =	ssyncset.done $0x0  }
0x47: {  	s26 =	rddreg [dreg:$0xa];
	[sflag:s25] =	ssyncadd.s32 $0xFFFFE000  }
0x48: {  	[hbm4b:s26+s3] =	stream.linear.scatter [tilespmem:s14], [sflag:$0x9], $0x2000, $0x38;
	[tilespmem:$0x12340] =	vst v63  }
0x49: {  	s26 =	simm.s32 $0x5  }
0x4a: {  	_ =	swait.ge [sflag:s26], $0x2000  }
0x4b: {  	[sflag:s26] =	ssyncset.done $0x0  }
0x4c: {  	s28 =	rddreg [dreg:$0xb];
	[sflag:s26] =	ssyncadd.s32 $0xFFFFE000  }
0x4d: {  	[hbm4b:s28+s3] =	stream.linear.scatter [tilespmem:s15], [sflag:$0x9], $0x2000, $0x38;
	[tilespmem:$0x12340] =	vst v63  }
0x4e: {  	s28 =	simm.s32 $0x6  }
0x4f: {  	_ =	swait.ge [sflag:s28], $0x2000  }
0x50: {  	[sflag:s28] =	ssyncset.done $0x0  }
0x51: {  	s29 =	rddreg [dreg:$0xc];
	[sflag:s28] =	ssyncadd.s32 $0xFFFFE000  }
0x52: {  	[hbm4b:s29+s3] =	stream.linear.scatter [tilespmem:s17], [sflag:$0x9], $0x2000, $0x38;
	[tilespmem:$0x12340] =	vst v63  }
0x53: {  	s29 =	simm.s32 $0x7  }
0x54: {  	_ =	swait.ge [sflag:s29], $0x2000  }
0x55: {  	[sflag:s29] =	ssyncset.done $0x0  }
0x56: {  	s30 =	rddreg [dreg:$0xd];
	[sflag:s29] =	ssyncadd.s32 $0xFFFFE000  }
0x57: {  	[hbm4b:s30+s3] =	stream.linear.scatter [tilespmem:s19], [sflag:$0x9], $0x2000, $0x38;
	[tilespmem:$0x12340] =	vst v63  }
0x58: {  	s30 =	simm.s32 $0x8  }
0x59: {  	_ =	swait.ge [sflag:s30], $0x2000  }
0x5a: {  	[sflag:s30] =	ssyncset.done $0x0  }
0x5b: {  	s31 =	rddreg [dreg:$0xe];
	[sflag:s30] =	ssyncadd.s32 $0xFFFFE000  }
0x5c: {  	[hbm4b:s31+s3] =	stream.linear.scatter [tilespmem:s21], [sflag:$0x9], $0x2000, $0x38;
	[tilespmem:$0x12340] =	vst v63  }
0x5d: {  	s31 =	simm.s32 $0x9  }
0x5e: {  	_ =	swait.ge [sflag:s31], $0x2000  }
0x5f: {  	[sflag:s31] =	ssyncset.done $0x0  }
0x60: {  	[sflag:s31] =	ssyncadd.s32 $0xFFFFE000  }
0x61: {  	_ =	swait.ge [sflag:s31], $0x2000  }
0x62: {  	[sflag:s31] =	ssyncset.done $0x0  }
0x63: {  	[sflag:s31] =	ssyncadd.s32 $0xFFFFE000  }
0x64: {  	_ =	swait.ge [sflag:s31], $0x2000  }
0x65: {  	[sflag:s31] =	ssyncset.done $0x0  }
0x66: {  	[sflag:s31] =	ssyncadd.s32 $0xFFFFE000  }
0x67: {  	s0 =	ssub.s32 $0x2, s0;
	_ =	swait.ge [sflag:s31], $0x2000  }
0x68: {  	s16 =	sshrl.u32 s0, $0x1;
	[sflag:s31] =	ssyncset.done $0x0  }
0x69: {  	s0 =	ssub.s32 s0, s16;
	[sflag:s31] =	ssyncadd.s32 $0xFFFFE000  }
0x6a: {  	s0 =	smax.u32 s0, $0x1;
	_ =	swait.ge [sflag:s31], $0x2000  }
0x6b: {  	s0 =	sadd.s32 $0xFFFFFFFF, s0;
	[sflag:s31] =	ssyncset.done $0x0  }
0x6c: {  	p2 =	sne.s32 s0, $0x0;
	[sflag:s31] =	ssyncadd.s32 $0xFFFFE000  }
.Ltmp0:
0x6d: {  	_ =	swait.ge [sflag:s31], $0x2000;
	(pc) =	sbr.rel @!p2 .LBB2_2-.Ltmp0, $4  }
0x6e: {  	[sflag:s31] =	ssyncset.done $0x0  }
0x6f: {  	[sflag:s31] =	ssyncadd.s32 $0xFFFFE000  }
0x70: {  	_ =	swait.ge [sflag:s31], $0x2000  }
0x71: {  	[sflag:s31] =	ssyncset.done $0x0  }
.LBB2_1:
0x72: {  	[sflag:s31] =	ssyncadd.s32 $0xFFFFE000  }
0x73: {  	_ =	swait.ge [sflag:s31], $0x2000  }
0x74: {  	s1 =	rddreg [dreg:$0xf];
	[sflag:s31] =	ssyncset.done $0x0  }
0x75: {  	s16 =	simm.s32 @!p1 $0x1DCA;
	s5 =	rddreg [dreg:$0x5];
	[sflag:s31] =	ssyncadd.s32 $0xFFFFE000  }
0x76: {  	[spmem:s1], [sflag:s16] =	dma.local @!p1 [hbm:s5], $0x680  }
0x77: {  	_ =	swait.ge @!p1 [sflag:s6], $0x680  }
0x78: {  	s1 =	rddreg [dreg:$0x11]  }
0x79: {  	[sflag:s6] =	ssyncset.done @!p1 $0x0;
	s5 =	rddreg [dreg:$0x6]  }
0x7a: {  	s16 =	rddreg [dreg:$0x10];
	[sflag:s6] =	ssyncadd.s32 @!p1 $0xFFFFF980  }
0x7b: {  	[spmem:s1], [sflag:s16] =	dma.local @!p0 [hbm:s5], $0x800  }
0x7c: {  	_ =	swait.ge @!p0 [sflag:s7], $0x800  }
0x7d: {  	[sflag:s7] =	ssyncset.done @!p0 $0x0  }
0x7e: {  	s16 =	rddreg [dreg:$0x7];
	[sflag:s7] =	ssyncadd.s32 @!p0 $0xFFFFF800  }
0x7f: {  	[tilespmem:s8], [sflag:$0xA] =	stream.linear.gather [hbm4b:s16+s3], $0x400, $0x38;
	[tilespmem:$0x12340] =	vst v63  }
0x80: {  	_ =	swait.ge [sflag:s9], $0x400  }
0x81: {  	[sflag:s9] =	ssyncset.done $0x0  }
0x82: {  	[sflag:s9] =	ssyncadd.s32 $0xFFFFFC00  }
0x83: {  	[bflag:$0x0] =	sbarrier.arrive $0xFFFF  }
0x84: {  	[tilespmem:s11], [sflag:$0x1] =	stream.indirect.gather [spmem:s2], $0x80, s8, s10, $0xb8;
	[tilespmem:$0x12340] =	vst v63  }
0x85: {  	s1 =	rddreg [dreg:$0x12]  }
0x86: {  	[tilespmem:s12], [sflag:$0x2] =	stream.indirect.gather [spmem:s2], $0x80, s1, s10, $0xb8;
	[tilespmem:$0x12340] =	vst v63  }
0x87: {  	s16 =	rddreg [dreg:$0x13]  }
0x88: {  	[tilespmem:s13], [sflag:$0x3] =	stream.indirect.gather [spmem:s2], $0x80, s16, s10, $0xb8;
	[tilespmem:$0x12340] =	vst v63  }
0x89: {  	s5 =	rddreg [dreg:$0x14]  }
0x8a: {  	[tilespmem:s14], [sflag:$0x4] =	stream.indirect.gather [spmem:s2], $0x80, s5, s10, $0xb8;
	[tilespmem:$0x12340] =	vst v63  }
0x8b: {  	s1 =	rddreg [dreg:$0x15]  }
0x8c: {  	[tilespmem:s15], [sflag:$0x5] =	stream.indirect.gather [spmem:s2], $0x80, s1, s10, $0xb8;
	[tilespmem:$0x12340] =	vst v63  }
0x8d: {  	s5 =	simm.s32 $0x21C0  }
0x8e: {  	[tilespmem:s17], [sflag:$0x6] =	stream.indirect.gather [spmem:s2], $0x80, s5, s10, $0xb8;
	[tilespmem:$0x12340] =	vst v63  }
0x8f: {  	_ = 	snop  }
0x90: {  	[tilespmem:s19], [sflag:$0x7] =	stream.indirect.gather [spmem:s2], $0x80, s18, s10, $0xb8;
	[tilespmem:$0x12340] =	vst v63  }
0x91: {  	_ = 	snop  }
0x92: {  	[tilespmem:s21], [sflag:$0x8] =	stream.indirect.gather [spmem:s2], $0x80, s20, s10, $0xb8;
	[tilespmem:$0x12340] =	vst v63  }
0x93: {  	_ =	swait.ge [sflag:s22], $0x2000  }
0x94: {  	[sflag:s22] =	ssyncset.done $0x0  }
0x95: {  	[sflag:s22] =	ssyncadd.s32 $0xFFFFE000  }
0x96: {  	[hbm4b:s4+s3] =	stream.linear.scatter [tilespmem:s11], [sflag:$0x9], $0x2000, $0x38;
	[tilespmem:$0x12340] =	vst v63  }
0x97: {  	_ =	swait.ge [sflag:s23], $0x2000  }
0x98: {  	[sflag:s23] =	ssyncset.done $0x0  }
0x99: {  	s16 =	rddreg [dreg:$0x8];
	[sflag:s23] =	ssyncadd.s32 $0xFFFFE000  }
0x9a: {  	[hbm4b:s16+s3] =	stream.linear.scatter [tilespmem:s12], [sflag:$0x9], $0x2000, $0x38;
	[tilespmem:$0x12340] =	vst v63  }
0x9b: {  	_ =	swait.ge [sflag:s24], $0x2000  }
0x9c: {  	[sflag:s24] =	ssyncset.done $0x0  }
0x9d: {  	s5 =	rddreg [dreg:$0x9];
	[sflag:s24] =	ssyncadd.s32 $0xFFFFE000  }
0x9e: {  	[hbm4b:s5+s3] =	stream.linear.scatter [tilespmem:s13], [sflag:$0x9], $0x2000, $0x38;
	[tilespmem:$0x12340] =	vst v63  }
0x9f: {  	_ =	swait.ge [sflag:s25], $0x2000  }
0xa0: {  	[sflag:s25] =	ssyncset.done $0x0  }
0xa1: {  	s16 =	rddreg [dreg:$0xa];
	[sflag:s25] =	ssyncadd.s32 $0xFFFFE000  }
0xa2: {  	[hbm4b:s16+s3] =	stream.linear.scatter [tilespmem:s14], [sflag:$0x9], $0x2000, $0x38;
	[tilespmem:$0x12340] =	vst v63  }
0xa3: {  	_ =	swait.ge [sflag:s26], $0x2000  }
0xa4: {  	[sflag:s26] =	ssyncset.done $0x0  }
0xa5: {  	s5 =	rddreg [dreg:$0xb];
	[sflag:s26] =	ssyncadd.s32 $0xFFFFE000  }
0xa6: {  	[hbm4b:s5+s3] =	stream.linear.scatter [tilespmem:s15], [sflag:$0x9], $0x2000, $0x38;
	[tilespmem:$0x12340] =	vst v63  }
0xa7: {  	_ =	swait.ge [sflag:s28], $0x2000  }
0xa8: {  	[sflag:s28] =	ssyncset.done $0x0  }
0xa9: {  	s16 =	rddreg [dreg:$0xc];
	[sflag:s28] =	ssyncadd.s32 $0xFFFFE000  }
0xaa: {  	[hbm4b:s16+s3] =	stream.linear.scatter [tilespmem:s17], [sflag:$0x9], $0x2000, $0x38;
	[tilespmem:$0x12340] =	vst v63  }
0xab: {  	_ =	swait.ge [sflag:s29], $0x2000  }
0xac: {  	[sflag:s29] =	ssyncset.done $0x0  }
0xad: {  	s5 =	rddreg [dreg:$0xd];
	[sflag:s29] =	ssyncadd.s32 $0xFFFFE000  }
0xae: {  	[hbm4b:s5+s3] =	stream.linear.scatter [tilespmem:s19], [sflag:$0x9], $0x2000, $0x38;
	[tilespmem:$0x12340] =	vst v63  }
0xaf: {  	_ =	swait.ge [sflag:s30], $0x2000  }
0xb0: {  	[sflag:s30] =	ssyncset.done $0x0  }
0xb1: {  	s16 =	rddreg [dreg:$0xe];
	[sflag:s30] =	ssyncadd.s32 $0xFFFFE000  }
0xb2: {  	[hbm4b:s16+s3] =	stream.linear.scatter [tilespmem:s21], [sflag:$0x9], $0x2000, $0x38;
	[tilespmem:$0x12340] =	vst v63  }
0xb3: {  	_ =	swait.ge [sflag:s31], $0x2000  }
0xb4: {  	[sflag:s31] =	ssyncset.done $0x0  }
0xb5: {  	[sflag:s31] =	ssyncadd.s32 $0xFFFFE000  }
0xb6: {  	_ =	swait.ge [sflag:s31], $0x2000  }
0xb7: {  	[sflag:s31] =	ssyncset.done $0x0  }
0xb8: {  	[sflag:s31] =	ssyncadd.s32 $0xFFFFE000  }
0xb9: {  	_ =	swait.ge [sflag:s31], $0x2000  }
0xba: {  	[sflag:s31] =	ssyncset.done $0x0  }
0xbb: {  	[sflag:s31] =	ssyncadd.s32 $0xFFFFE000  }
0xbc: {  	_ =	swait.ge [sflag:s31], $0x2000  }
0xbd: {  	[sflag:s31] =	ssyncset.done $0x0  }
0xbe: {  	[sflag:s31] =	ssyncadd.s32 $0xFFFFE000  }
0xbf: {  	_ =	swait.ge [sflag:s31], $0x2000  }
0xc0: {  	s0 =	sadd.s32 $0xFFFFFFFF, s0;
	[sflag:s31] =	ssyncset.done $0x0  }
0xc1: {  	p2 =	sne.s32 s0, $0x0;
	[sflag:s31] =	ssyncadd.s32 $0xFFFFE000  }
.Ltmp1:
0xc2: {  	_ =	swait.ge [sflag:s31], $0x2000;
	(pc) =	sbr.rel @p2 .LBB2_1-.Ltmp1, $4  }
0xc3: {  	[sflag:s31] =	ssyncset.done $0x0  }
0xc4: {  	[sflag:s31] =	ssyncadd.s32 $0xFFFFE000  }
0xc5: {  	_ =	swait.ge [sflag:s31], $0x2000  }
0xc6: {  	[sflag:s31] =	ssyncset.done $0x0  }
.LBB2_2:
0xc7: {  	[sflag:s31] =	ssyncadd.s32 $0xFFFFE000  }
0xc8: {  	_ =	swait.ge [sflag:s31], $0x2000  }
0xc9: {  	[sflag:s31] =	ssyncset.done $0x0  }
0xca: {  	[sflag:s31] =	ssyncadd.s32 $0xFFFFE000  }
0xcb: {  	_ =	sfence.sel $0x180000  }
0xcc: {  	[bflag:$0x0] =	sbarrier.arrive $0xFFFF  }
0xcd: {  	_ =	strace $0x90000047  }
0xce: {  	s0 =	stileid.u32;
	[bflag:$0x2] =	sbarrier.arrive $0xFFFF  }
0xcf: {  	p0 =	sne.s32 s0, $0x0;
	s0 =	rddreg [dreg:$0x4]  }
0xd0: {  	s0 =	sadd.s32 @!p0 $0x100000, s0  }
0xd1: {  	[sflag:s0] =	ssyncadd.tile.s32 @!p0 $0x1;
	_ =	shalt  }
.Lfunc_end2:
_tile_overlayer_lowered:
.L_overlay_start_2:
0xd2: {  	(tag) =	ssettag $0x2  }
0xd3: {  	s0 =	rddreg [dreg:$0x0];
	s2 =	stileid.u32  }
0xd4: {  	s1 =	rddreg [dreg:$0x1];
	p0 =	sne.s32 s2, $0x0  }
0xd5: {  	s3 =	rddreg [dreg:$0x2];
	[bflag:$0x3] =	sbarrier.arrive $0xFFFF;
	s2 =	simm.s32 @!p0 $0x1C0A  }
0xd6: {  	[timem:s3], [sflag:s2] =	dma.local @!p0 [hbm:s0], s1  }
0xd7: {  	s0 =	simm.s32 @!p0 $0xA  }
0xd8: {  	_ =	swait.ge @!p0 [sflag:s0], s1  }
0xd9: {  	s1 =	ssub.s32 @!p0 $0x0, s1;
	[sflag:s0] =	ssyncset.done @!p0 $0x0  }
0xda: {  	[sflag:s0] =	ssyncadd.s32 @!p0 s1  }
0xdb: {  	[bflag:$0x3] =	sbarrier.arrive $0xFFFF  }
0xdc: {  	_ =	shalt  }

</sc_bundles>
